<compile_context>
chip_gen: v7x
topology: tpu7x:2x2x1
jax: 0.10.2.dev20260603
libtpu: 0.0.44.dev20260713+nightly
codegen_flags: <defaults>
</compile_context>

<pallas_src>
import functools

import jax
import jax.numpy as jnp
from jax import lax
from jax.experimental import pallas as pl
from jax.experimental.pallas import tpu as pltpu, tpu_sc as plsc

_PPW = 56
_C = 96
_W = 224


def _sc_relu(x_hbm, o_hbm, ibufs, obufs, isems, osems):
    c = lax.axis_index("c")
    s = lax.axis_index("s")
    wid = s * 2 + c
    i = wid // 8
    j = (wid // 4) % 2
    k0 = (wid % 4) * _PPW

    def in_copy(step, b):
        return pltpu.make_async_copy(
            x_hbm.at[i, j, k0 + step], ibufs[b], isems[b]
        )

    def out_copy(step, b):
        return pltpu.make_async_copy(
            obufs[b], o_hbm.at[i, j, k0 + step], osems[b]
        )

    in_copy(0, 0).start()
    in_copy(1, 1).start()

    def round_(r, _):
        for b in range(2):
            step = r * 2 + b

            @pl.when(r > 0)
            def _():
                out_copy(step - 2, b).wait()

            in_copy(step, b).wait()

            def row(q, _):
                for l in range(14):
                    obufs[b][q, pl.ds(l * 16, 16)] = jnp.maximum(
                        ibufs[b][q, pl.ds(l * 16, 16)], 0.0
                    )
                return 0

            lax.fori_loop(0, _C, row, 0, unroll=2)
            out_copy(step, b).start()

            @pl.when(step + 2 < _PPW)
            def _():
                in_copy(step + 2, b).start()

        return 0

    lax.fori_loop(0, _PPW // 2, round_, 0)
    out_copy(_PPW - 2, 0).wait()
    out_copy(_PPW - 1, 1).wait()


def kernel(inputs):
    b0, b1, h, w, c = inputs.shape
    xt = inputs.transpose(0, 1, 2, 4, 3)
    mesh = plsc.VectorSubcoreMesh(core_axis_name="c", subcore_axis_name="s")
    k = functools.partial(
        pl.kernel,
        mesh=mesh,
        out_type=jax.ShapeDtypeStruct(xt.shape, jnp.float32),
        scratch_types=[
            [pltpu.VMEM((c, w), jnp.float32) for _ in range(2)],
            [pltpu.VMEM((c, w), jnp.float32) for _ in range(2)],
            [pltpu.SemaphoreType.DMA for _ in range(2)],
            [pltpu.SemaphoreType.DMA for _ in range(2)],
        ],
    )(_sc_relu)
    out = k(xt)
    return out.transpose(0, 1, 2, 4, 3)

# --- scband reference (transcript-rebuilt; emitter-appended) ---
"""Pipeline reference for scband-complex-conv-2d-15728170238120 (READ-ONLY COPY).

The authoritative reference and input builder live on the scoring server;
editing this copy changes nothing except your own understanding.
"""

import jax, jax.numpy as jnp
import numpy as np


def setup_inputs(seed: int = 0) -> dict:
    key = jax.random.key(seed)
    inputs = jax.random.normal(key, (4, 2, 224, 224, 96), dtype=jnp.float32)
    return {"inputs": inputs}


def _relu_scatter(x):
    # Faithful translation of tf.tensor_scatter_nd_update(x, where(x<0), zeros):
    # find indices of negative entries and scatter-overwrite them with 0.
    flat = x.reshape(-1)
    flat = jnp.where(flat < 0, jnp.float32(0.0), flat)
    return flat.reshape(x.shape)


def reference(inputs):
    aR = inputs[:, 0]
    aJ = inputs[:, 1]
    bR = jnp.expand_dims(_relu_scatter(aR), axis=1)
    bJ = jnp.expand_dims(_relu_scatter(aJ), axis=1)
    # make_pair / intended return: concat real/imag ReLU'd planes along axis=1
    return jnp.concatenate([bR, bJ], axis=1)

if __name__ == "__main__":
    import jax
    _d = setup_inputs()
    print(jax.jit(kernel)(*tuple(_d.values())))

</pallas_src>

<mosaic_0001>
#map = affine_map<(d0, d1) -> (0, 0, 0, 0, 0)>
module attributes {stable_mosaic.version = 14 : i64} {
  func.func @_sc_relu(%arg0: i32, %arg1: i32, %arg2: memref<4x2x224x96x224xf32, #tpu.memory_space<hbm>>, %arg3: memref<4x2x224x96x224xf32, #tpu.memory_space<hbm>>, %arg4: memref<96x224xf32, #tpu.memory_space<vmem>>, %arg5: memref<96x224xf32, #tpu.memory_space<vmem>>, %arg6: memref<96x224xf32, #tpu.memory_space<vmem>>, %arg7: memref<96x224xf32, #tpu.memory_space<vmem>>, %arg8: memref<!tpu.dma_semaphore, #tpu.memory_space<semaphore_mem>>, %arg9: memref<!tpu.dma_semaphore, #tpu.memory_space<semaphore_mem>>, %arg10: memref<!tpu.dma_semaphore, #tpu.memory_space<semaphore_mem>>, %arg11: memref<!tpu.dma_semaphore, #tpu.memory_space<semaphore_mem>>) attributes {dimension_semantics = [#tpu.dimension_semantics<core_parallel>, #tpu.dimension_semantics<subcore_parallel>], iteration_bounds = array<i64: 2, 16>, scalar_prefetch = 0 : i64, scratch_operands = 8 : i64, tpu.core_type = #tpu.core_type<sc_vector_subcore>, window_params = [{transform_indices = #map}, {transform_indices = #map}]} {
    %mul3A = arith.constant 2 : i32
    %mul3A_0 = arith.muli %arg1, %mul3A : i32
    %add3A = arith.addi %mul3A_0, %arg0 : i32
    %jit3A = arith.constant 8 : i32
    %div3A = arith.divsi %add3A, %jit3A : i32
    %sign3A = arith.constant 0 : i32
    %sign3A_1 = arith.cmpi sgt, %add3A, %sign3A : i32
    %sign3A_2 = arith.extui %sign3A_1 : i1 to i32
    %sign3A_3 = arith.constant 0 : i32
    %sign3A_4 = arith.cmpi slt, %add3A, %sign3A_3 : i32
    %sign3A_5 = arith.extui %sign3A_4 : i1 to i32
    %sign3A_6 = arith.subi %sign3A_2, %sign3A_5 : i32
    %sign3A_7 = arith.constant 0 : i32
    %sign3A_8 = arith.cmpi sgt, %jit3A, %sign3A_7 : i32
    %sign3A_9 = arith.extui %sign3A_8 : i1 to i32
    %sign3A_10 = arith.constant 0 : i32
    %sign3A_11 = arith.cmpi slt, %jit3A, %sign3A_10 : i32
    %sign3A_12 = arith.extui %sign3A_11 : i1 to i32
    %sign3A_13 = arith.subi %sign3A_9, %sign3A_12 : i32
    %ne3A = arith.cmpi ne, %sign3A_6, %sign3A_13 : i32
    %rem3A = arith.remsi %add3A, %jit3A : i32
    %ne3A_14 = arith.constant 0 : i32
    %ne3A_15 = arith.cmpi ne, %rem3A, %ne3A_14 : i32
    %and3A = arith.andi %ne3A, %ne3A_15 : i1
    %sub3A = arith.constant 1 : i32
    %sub3A_16 = arith.subi %div3A, %sub3A : i32
    %select_n3A = arith.select %and3A, %sub3A_16, %div3A : i32
    %jit3A_17 = arith.constant 4 : i32
    %div3A_18 = arith.divsi %add3A, %jit3A_17 : i32
    %sign3A_19 = arith.constant 0 : i32
    %sign3A_20 = arith.cmpi sgt, %add3A, %sign3A_19 : i32
    %sign3A_21 = arith.extui %sign3A_20 : i1 to i32
    %sign3A_22 = arith.constant 0 : i32
    %sign3A_23 = arith.cmpi slt, %add3A, %sign3A_22 : i32
    %sign3A_24 = arith.extui %sign3A_23 : i1 to i32
    %sign3A_25 = arith.subi %sign3A_21, %sign3A_24 : i32
    %sign3A_26 = arith.constant 0 : i32
    %sign3A_27 = arith.cmpi sgt, %jit3A_17, %sign3A_26 : i32
    %sign3A_28 = arith.extui %sign3A_27 : i1 to i32
    %sign3A_29 = arith.constant 0 : i32
    %sign3A_30 = arith.cmpi slt, %jit3A_17, %sign3A_29 : i32
    %sign3A_31 = arith.extui %sign3A_30 : i1 to i32
    %sign3A_32 = arith.subi %sign3A_28, %sign3A_31 : i32
    %ne3A_33 = arith.cmpi ne, %sign3A_25, %sign3A_32 : i32
    %rem3A_34 = arith.remsi %add3A, %jit3A_17 : i32
    %ne3A_35 = arith.constant 0 : i32
    %ne3A_36 = arith.cmpi ne, %rem3A_34, %ne3A_35 : i32
    %and3A_37 = arith.andi %ne3A_33, %ne3A_36 : i1
    %sub3A_38 = arith.constant 1 : i32
    %sub3A_39 = arith.subi %div3A_18, %sub3A_38 : i32
    %select_n3A_40 = arith.select %and3A_37, %sub3A_39, %div3A_18 : i32
    %jit3A_41 = arith.constant 2 : i32
    %eq3A = arith.constant 0 : i32
    %eq3A_42 = arith.cmpi eq, %jit3A_41, %eq3A : i32
    %jit3A_43 = arith.constant 1 : i32
    %select_n3A_44 = arith.select %eq3A_42, %jit3A_43, %jit3A_41 : i32
    %rem3A_45 = arith.remsi %select_n3A_40, %select_n3A_44 : i32
    %ne3A_46 = arith.constant 0 : i32
    %ne3A_47 = arith.cmpi ne, %rem3A_45, %ne3A_46 : i32
    %lt3A = arith.constant 0 : i32
    %lt3A_48 = arith.cmpi slt, %rem3A_45, %lt3A : i32
    %lt3A_49 = arith.constant 0 : i32
    %lt3A_50 = arith.cmpi slt, %select_n3A_44, %lt3A_49 : i32
    %ne3A_51 = arith.xori %lt3A_48, %lt3A_50 : i1
    %and3A_52 = arith.andi %ne3A_51, %ne3A_47 : i1
    %add3A_53 = arith.addi %rem3A_45, %select_n3A_44 : i32
    %select_n3A_54 = arith.select %and3A_52, %add3A_53, %rem3A_45 : i32
    %jit3A_55 = arith.constant 4 : i32
    %eq3A_56 = arith.constant 0 : i32
    %eq3A_57 = arith.cmpi eq, %jit3A_55, %eq3A_56 : i32
    %jit3A_58 = arith.constant 1 : i32
    %select_n3A_59 = arith.select %eq3A_57, %jit3A_58, %jit3A_55 : i32
    %rem3A_60 = arith.remsi %add3A, %select_n3A_59 : i32
    %ne3A_61 = arith.constant 0 : i32
    %ne3A_62 = arith.cmpi ne, %rem3A_60, %ne3A_61 : i32
    %lt3A_63 = arith.constant 0 : i32
    %lt3A_64 = arith.cmpi slt, %rem3A_60, %lt3A_63 : i32
    %lt3A_65 = arith.constant 0 : i32
    %lt3A_66 = arith.cmpi slt, %select_n3A_59, %lt3A_65 : i32
    %ne3A_67 = arith.xori %lt3A_64, %lt3A_66 : i1
    %and3A_68 = arith.andi %ne3A_67, %ne3A_62 : i1
    %add3A_69 = arith.addi %rem3A_60, %select_n3A_59 : i32
    %select_n3A_70 = arith.select %and3A_68, %add3A_69, %rem3A_60 : i32
    %mul3A_71 = arith.constant 56 : i32
    %mul3A_72 = arith.muli %select_n3A_70, %mul3A_71 : i32
    %add3A_73 = arith.constant 0 : i32
    %add3A_74 = arith.addi %mul3A_72, %add3A_73 : i32
    %dma_start3A = arith.constant 0 : i32
    %dma_start3A_75 = arith.constant 0 : i32
    %dma_start3A_76 = tpu.memref_slice %arg2[%select_n3A, %select_n3A_54, %add3A_74, %dma_start3A, %dma_start3A_75] : memref<4x2x224x96x224xf32, #tpu.memory_space<hbm>> -> memref<1x1x1x96x224xf32, #tpu.memory_space<hbm>>
    %dma_start3A_77 = tpu.memref_squeeze %dma_start3A_76 : memref<1x1x1x96x224xf32, #tpu.memory_space<hbm>> -> memref<96x224xf32, #tpu.memory_space<hbm>>
    %dma_start3A_78 = arith.constant 0 : i32
    %dma_start3A_79 = arith.constant 0 : i32
    %dma_start3A_80 = tpu.memref_slice %arg2[%select_n3A, %select_n3A_54, %add3A_74, %dma_start3A_78, %dma_start3A_79] : memref<4x2x224x96x224xf32, #tpu.memory_space<hbm>> -> memref<1x1x1x96x224xf32, #tpu.memory_space<hbm>>
    %dma_start3A_81 = tpu.memref_squeeze %dma_start3A_80 : memref<1x1x1x96x224xf32, #tpu.memory_space<hbm>> -> memref<96x224xf32, #tpu.memory_space<hbm>>
    tpu.enqueue_dma source(%dma_start3A_81 : memref<96x224xf32, #tpu.memory_space<hbm>>) target(%arg4 : memref<96x224xf32, #tpu.memory_space<vmem>>) target_semaphore(%arg8 : memref<!tpu.dma_semaphore, #tpu.memory_space<semaphore_mem>>)
    %add3A_82 = arith.constant 1 : i32
    %add3A_83 = arith.addi %mul3A_72, %add3A_82 : i32
    %dma_start3A_84 = arith.constant 0 : i32
    %dma_start3A_85 = arith.constant 0 : i32
    %dma_start3A_86 = tpu.memref_slice %arg2[%select_n3A, %select_n3A_54, %add3A_83, %dma_start3A_84, %dma_start3A_85] : memref<4x2x224x96x224xf32, #tpu.memory_space<hbm>> -> memref<1x1x1x96x224xf32, #tpu.memory_space<hbm>>
    %dma_start3A_87 = tpu.memref_squeeze %dma_start3A_86 : memref<1x1x1x96x224xf32, #tpu.memory_space<hbm>> -> memref<96x224xf32, #tpu.memory_space<hbm>>
    %dma_start3A_88 = arith.constant 0 : i32
    %dma_start3A_89 = arith.constant 0 : i32
    %dma_start3A_90 = tpu.memref_slice %arg2[%select_n3A, %select_n3A_54, %add3A_83, %dma_start3A_88, %dma_start3A_89] : memref<4x2x224x96x224xf32, #tpu.memory_space<hbm>> -> memref<1x1x1x96x224xf32, #tpu.memory_space<hbm>>
    %dma_start3A_91 = tpu.memref_squeeze %dma_start3A_90 : memref<1x1x1x96x224xf32, #tpu.memory_space<hbm>> -> memref<96x224xf32, #tpu.memory_space<hbm>>
    tpu.enqueue_dma source(%dma_start3A_91 : memref<96x224xf32, #tpu.memory_space<hbm>>) target(%arg5 : memref<96x224xf32, #tpu.memory_space<vmem>>) target_semaphore(%arg9 : memref<!tpu.dma_semaphore, #tpu.memory_space<semaphore_mem>>)
    %scan3A = arith.constant 0 : i32
    %scan3A_92 = arith.constant 0 : i32
    %scan3A_93 = arith.constant 28 : i32
    %scan3A_94 = arith.addi %scan3A_92, %scan3A_93 : i32
    %scan3A_95 = arith.constant 1 : i32
    %scan3A_96 = scf.for %scan3A_117 = %scan3A_92 to %scan3A_94 step %scan3A_95 iter_args(%scan3A_118 = %scan3A) -> (i32)  : i32 {
      %mul3A_119 = arith.constant 2 : i32
      %mul3A_120 = arith.muli %scan3A_117, %mul3A_119 : i32
      %add3A_121 = arith.constant 0 : i32
      %add3A_122 = arith.addi %mul3A_120, %add3A_121 : i32
      %gt3A = arith.constant 0 : i32
      %gt3A_123 = arith.cmpi sgt, %scan3A_117, %gt3A : i32
      %convert_element_type3A = arith.extui %gt3A_123 : i1 to i32
      %cond3A = arith.constant 0 : i32
      %cond3A_124 = arith.cmpi ne, %convert_element_type3A, %cond3A : i32
      scf.if %cond3A_124 {
        %sub3A_199 = arith.constant 2 : i32
        %sub3A_200 = arith.subi %add3A_122, %sub3A_199 : i32
        %add3A_201 = arith.addi %mul3A_72, %sub3A_200 : i32
        %dma_wait3A_202 = arith.constant 0 : i32
        %dma_wait3A_203 = arith.constant 0 : i32
        %dma_wait3A_204 = tpu.memref_slice %arg3[%select_n3A, %select_n3A_54, %add3A_201, %dma_wait3A_202, %dma_wait3A_203] : memref<4x2x224x96x224xf32, #tpu.memory_space<hbm>> -> memref<1x1x1x96x224xf32, #tpu.memory_space<hbm>>
        %dma_wait3A_205 = tpu.memref_squeeze %dma_wait3A_204 : memref<1x1x1x96x224xf32, #tpu.memory_space<hbm>> -> memref<96x224xf32, #tpu.memory_space<hbm>>
        %dma_wait3A_206 = arith.constant 0 : i32
        %dma_wait3A_207 = arith.constant 0 : i32
        %dma_wait3A_208 = tpu.memref_slice %arg3[%select_n3A, %select_n3A_54, %add3A_201, %dma_wait3A_206, %dma_wait3A_207] : memref<4x2x224x96x224xf32, #tpu.memory_space<hbm>> -> memref<1x1x1x96x224xf32, #tpu.memory_space<hbm>>
        %dma_wait3A_209 = tpu.memref_squeeze %dma_wait3A_208 : memref<1x1x1x96x224xf32, #tpu.memory_space<hbm>> -> memref<96x224xf32, #tpu.memory_space<hbm>>
        tpu.wait_dma2 semaphore(%arg10 : memref<!tpu.dma_semaphore, #tpu.memory_space<semaphore_mem>>) src(%arg6 : memref<96x224xf32, #tpu.memory_space<vmem>>) dst(%dma_wait3A_209 : memref<96x224xf32, #tpu.memory_space<hbm>>)
      } else {
      }
      %add3A_125 = arith.addi %mul3A_72, %add3A_122 : i32
      %dma_wait3A_126 = arith.constant 0 : i32
      %dma_wait3A_127 = arith.constant 0 : i32
      %dma_wait3A_128 = tpu.memref_slice %arg2[%select_n3A, %select_n3A_54, %add3A_125, %dma_wait3A_126, %dma_wait3A_127] : memref<4x2x224x96x224xf32, #tpu.memory_space<hbm>> -> memref<1x1x1x96x224xf32, #tpu.memory_space<hbm>>
      %dma_wait3A_129 = tpu.memref_squeeze %dma_wait3A_128 : memref<1x1x1x96x224xf32, #tpu.memory_space<hbm>> -> memref<96x224xf32, #tpu.memory_space<hbm>>
      %dma_wait3A_130 = arith.constant 0 : i32
      %dma_wait3A_131 = arith.constant 0 : i32
      %dma_wait3A_132 = tpu.memref_slice %arg2[%select_n3A, %select_n3A_54, %add3A_125, %dma_wait3A_130, %dma_wait3A_131] : memref<4x2x224x96x224xf32, #tpu.memory_space<hbm>> -> memref<1x1x1x96x224xf32, #tpu.memory_space<hbm>>
      %dma_wait3A_133 = tpu.memref_squeeze %dma_wait3A_132 : memref<1x1x1x96x224xf32, #tpu.memory_space<hbm>> -> memref<96x224xf32, #tpu.memory_space<hbm>>
      tpu.wait_dma2 semaphore(%arg8 : memref<!tpu.dma_semaphore, #tpu.memory_space<semaphore_mem>>) src(%dma_wait3A_133 : memref<96x224xf32, #tpu.memory_space<hbm>>) dst(%arg4 : memref<96x224xf32, #tpu.memory_space<vmem>>)
      %scan3A_134 = arith.constant 0 : i32
      %scan3A_135 = arith.constant 0 : i32
      %scan3A_136 = arith.constant 96 : i32
      %scan3A_137 = arith.addi %scan3A_135, %scan3A_136 : i32
      %scan3A_138 = arith.constant 2 : i32
      %scan3A_139 = scf.for %scan3A_199 = %scan3A_135 to %scan3A_137 step %scan3A_138 iter_args(%scan3A_200 = %scan3A_134) -> (i32)  : i32 {
        %get3A = arith.index_cast %scan3A_199 : i32 to index
        %get3A_201 = arith.constant 0 : index
        %get3A_202 = tpu.vector_load %arg4[%get3A, %get3A_201] {strides = array<i32>} : memref<96x224xf32, #tpu.memory_space<vmem>>, vector<1x16xf32>,
        %get3A_203 = vector.shape_cast %get3A_202 : vector<1x16xf32> to vector<16xf32>
        %max3A = arith.constant 0.000000e+00 : f32
        %max3A_204 = vector.broadcast %max3A : f32 to vector<16xf32>
        %max3A_205 = arith.maximumf %get3A_203, %max3A_204 : vector<16xf32>
        %swap3A = arith.index_cast %scan3A_199 : i32 to index
        %swap3A_206 = arith.constant 0 : index
        %swap3A_207 = tpu.vector_load %arg6[%swap3A, %swap3A_206] {strides = array<i32>} : memref<96x224xf32, #tpu.memory_space<vmem>>, vector<1x16xf32>,
        %swap3A_208 = vector.shape_cast %swap3A_207 : vector<1x16xf32> to vector<16xf32>
        %swap3A_209 = vector.shape_cast %max3A_205 : vector<16xf32> to vector<1x16xf32>
        tpu.vector_store %arg6[%swap3A, %swap3A_206], %swap3A_209 {strides = array<i32>} : memref<96x224xf32, #tpu.memory_space<vmem>>, vector<1x16xf32>,
        %get3A_210 = arith.index_cast %scan3A_199 : i32 to index
        %get3A_211 = arith.constant 16 : index
        %get3A_212 = tpu.vector_load %arg4[%get3A_210, %get3A_211] {strides = array<i32>} : memref<96x224xf32, #tpu.memory_space<vmem>>, vector<1x16xf32>,
        %get3A_213 = vector.shape_cast %get3A_212 : vector<1x16xf32> to vector<16xf32>
        %max3A_214 = arith.constant 0.000000e+00 : f32
        %max3A_215 = vector.broadcast %max3A_214 : f32 to vector<16xf32>
        %max3A_216 = arith.maximumf %get3A_213, %max3A_215 : vector<16xf32>
        %swap3A_217 = arith.index_cast %scan3A_199 : i32 to index
        %swap3A_218 = arith.constant 16 : index
        %swap3A_219 = tpu.vector_load %arg6[%swap3A_217, %swap3A_218] {strides = array<i32>} : memref<96x224xf32, #tpu.memory_space<vmem>>, vector<1x16xf32>,
        %swap3A_220 = vector.shape_cast %swap3A_219 : vector<1x16xf32> to vector<16xf32>
        %swap3A_221 = vector.shape_cast %max3A_216 : vector<16xf32> to vector<1x16xf32>
        tpu.vector_store %arg6[%swap3A_217, %swap3A_218], %swap3A_221 {strides = array<i32>} : memref<96x224xf32, #tpu.memory_space<vmem>>, vector<1x16xf32>,
        %get3A_222 = arith.index_cast %scan3A_199 : i32 to index
        %get3A_223 = arith.constant 32 : index
        %get3A_224 = tpu.vector_load %arg4[%get3A_222, %get3A_223] {strides = array<i32>} : memref<96x224xf32, #tpu.memory_space<vmem>>, vector<1x16xf32>,
        %get3A_225 = vector.shape_cast %get3A_224 : vector<1x16xf32> to vector<16xf32>
        %max3A_226 = arith.constant 0.000000e+00 : f32
        %max3A_227 = vector.broadcast %max3A_226 : f32 to vector<16xf32>
        %max3A_228 = arith.maximumf %get3A_225, %max3A_227 : vector<16xf32>
        %swap3A_229 = arith.index_cast %scan3A_199 : i32 to index
        %swap3A_230 = arith.constant 32 : index
        %swap3A_231 = tpu.vector_load %arg6[%swap3A_229, %swap3A_230] {strides = array<i32>} : memref<96x224xf32, #tpu.memory_space<vmem>>, vector<1x16xf32>,
        %swap3A_232 = vector.shape_cast %swap3A_231 : vector<1x16xf32> to vector<16xf32>
        %swap3A_233 = vector.shape_cast %max3A_228 : vector<16xf32> to vector<1x16xf32>
        tpu.vector_store %arg6[%swap3A_229, %swap3A_230], %swap3A_233 {strides = array<i32>} : memref<96x224xf32, #tpu.memory_space<vmem>>, vector<1x16xf32>,
        %get3A_234 = arith.index_cast %scan3A_199 : i32 to index
        %get3A_235 = arith.constant 48 : index
        %get3A_236 = tpu.vector_load %arg4[%get3A_234, %get3A_235] {strides = array<i32>} : memref<96x224xf32, #tpu.memory_space<vmem>>, vector<1x16xf32>,
        %get3A_237 = vector.shape_cast %get3A_236 : vector<1x16xf32> to vector<16xf32>
        %max3A_238 = arith.constant 0.000000e+00 : f32
        %max3A_239 = vector.broadcast %max3A_238 : f32 to vector<16xf32>
        %max3A_240 = arith.maximumf %get3A_237, %max3A_239 : vector<16xf32>
        %swap3A_241 = arith.index_cast %scan3A_199 : i32 to index
        %swap3A_242 = arith.constant 48 : index
        %swap3A_243 = tpu.vector_load %arg6[%swap3A_241, %swap3A_242] {strides = array<i32>} : memref<96x224xf32, #tpu.memory_space<vmem>>, vector<1x16xf32>,
        %swap3A_244 = vector.shape_cast %swap3A_243 : vector<1x16xf32> to vector<16xf32>
        %swap3A_245 = vector.shape_cast %max3A_240 : vector<16xf32> to vector<1x16xf32>
        tpu.vector_store %arg6[%swap3A_241, %swap3A_242], %swap3A_245 {strides = array<i32>} : memref<96x224xf32, #tpu.memory_space<vmem>>, vector<1x16xf32>,
        %get3A_246 = arith.index_cast %scan3A_199 : i32 to index
        %get3A_247 = arith.constant 64 : index
        %get3A_248 = tpu.vector_load %arg4[%get3A_246, %get3A_247] {strides = array<i32>} : memref<96x224xf32, #tpu.memory_space<vmem>>, vector<1x16xf32>,
        %get3A_249 = vector.shape_cast %get3A_248 : vector<1x16xf32> to vector<16xf32>
        %max3A_250 = arith.constant 0.000000e+00 : f32
        %max3A_251 = vector.broadcast %max3A_250 : f32 to vector<16xf32>
        %max3A_252 = arith.maximumf %get3A_249, %max3A_251 : vector<16xf32>
        %swap3A_253 = arith.index_cast %scan3A_199 : i32 to index
        %swap3A_254 = arith.constant 64 : index
        %swap3A_255 = tpu.vector_load %arg6[%swap3A_253, %swap3A_254] {strides = array<i32>} : memref<96x224xf32, #tpu.memory_space<vmem>>, vector<1x16xf32>,
        %swap3A_256 = vector.shape_cast %swap3A_255 : vector<1x16xf32> to vector<16xf32>
        %swap3A_257 = vector.shape_cast %max3A_252 : vector<16xf32> to vector<1x16xf32>
        tpu.vector_store %arg6[%swap3A_253, %swap3A_254], %swap3A_257 {strides = array<i32>} : memref<96x224xf32, #tpu.memory_space<vmem>>, vector<1x16xf32>,
        %get3A_258 = arith.index_cast %scan3A_199 : i32 to index
        %get3A_259 = arith.constant 80 : index
        %get3A_260 = tpu.vector_load %arg4[%get3A_258, %get3A_259] {strides = array<i32>} : memref<96x224xf32, #tpu.memory_space<vmem>>, vector<1x16xf32>,
        %get3A_261 = vector.shape_cast %get3A_260 : vector<1x16xf32> to vector<16xf32>
        %max3A_262 = arith.constant 0.000000e+00 : f32
        %max3A_263 = vector.broadcast %max3A_262 : f32 to vector<16xf32>
        %max3A_264 = arith.maximumf %get3A_261, %max3A_263 : vector<16xf32>
        %swap3A_265 = arith.index_cast %scan3A_199 : i32 to index
        %swap3A_266 = arith.constant 80 : index
        %swap3A_267 = tpu.vector_load %arg6[%swap3A_265, %swap3A_266] {strides = array<i32>} : memref<96x224xf32, #tpu.memory_space<vmem>>, vector<1x16xf32>,
        %swap3A_268 = vector.shape_cast %swap3A_267 : vector<1x16xf32> to vector<16xf32>
        %swap3A_269 = vector.shape_cast %max3A_264 : vector<16xf32> to vector<1x16xf32>
        tpu.vector_store %arg6[%swap3A_265, %swap3A_266], %swap3A_269 {strides = array<i32>} : memref<96x224xf32, #tpu.memory_space<vmem>>, vector<1x16xf32>,
        %get3A_270 = arith.index_cast %scan3A_199 : i32 to index
        %get3A_271 = arith.constant 96 : index
        %get3A_272 = tpu.vector_load %arg4[%get3A_270, %get3A_271] {strides = array<i32>} : memref<96x224xf32, #tpu.memory_space<vmem>>, vector<1x16xf32>,
        %get3A_273 = vector.shape_cast %get3A_272 : vector<1x16xf32> to vector<16xf32>
        %max3A_274 = arith.constant 0.000000e+00 : f32
        %max3A_275 = vector.broadcast %max3A_274 : f32 to vector<16xf32>
        %max3A_276 = arith.maximumf %get3A_273, %max3A_275 : vector<16xf32>
        %swap3A_277 = arith.index_cast %scan3A_199 : i32 to index
        %swap3A_278 = arith.constant 96 : index
        %swap3A_279 = tpu.vector_load %arg6[%swap3A_277, %swap3A_278] {strides = array<i32>} : memref<96x224xf32, #tpu.memory_space<vmem>>, vector<1x16xf32>,
        %swap3A_280 = vector.shape_cast %swap3A_279 : vector<1x16xf32> to vector<16xf32>
        %swap3A_281 = vector.shape_cast %max3A_276 : vector<16xf32> to vector<1x16xf32>
        tpu.vector_store %arg6[%swap3A_277, %swap3A_278], %swap3A_281 {strides = array<i32>} : memref<96x224xf32, #tpu.memory_space<vmem>>, vector<1x16xf32>,
        %get3A_282 = arith.index_cast %scan3A_199 : i32 to index
        %get3A_283 = arith.constant 112 : index
        %get3A_284 = tpu.vector_load %arg4[%get3A_282, %get3A_283] {strides = array<i32>} : memref<96x224xf32, #tpu.memory_space<vmem>>, vector<1x16xf32>,
        %get3A_285 = vector.shape_cast %get3A_284 : vector<1x16xf32> to vector<16xf32>
        %max3A_286 = arith.constant 0.000000e+00 : f32
        %max3A_287 = vector.broadcast %max3A_286 : f32 to vector<16xf32>
        %max3A_288 = arith.maximumf %get3A_285, %max3A_287 : vector<16xf32>
        %swap3A_289 = arith.index_cast %scan3A_199 : i32 to index
        %swap3A_290 = arith.constant 112 : index
        %swap3A_291 = tpu.vector_load %arg6[%swap3A_289, %swap3A_290] {strides = array<i32>} : memref<96x224xf32, #tpu.memory_space<vmem>>, vector<1x16xf32>,
        %swap3A_292 = vector.shape_cast %swap3A_291 : vector<1x16xf32> to vector<16xf32>
        %swap3A_293 = vector.shape_cast %max3A_288 : vector<16xf32> to vector<1x16xf32>
        tpu.vector_store %arg6[%swap3A_289, %swap3A_290], %swap3A_293 {strides = array<i32>} : memref<96x224xf32, #tpu.memory_space<vmem>>, vector<1x16xf32>,
        %get3A_294 = arith.index_cast %scan3A_199 : i32 to index
        %get3A_295 = arith.constant 128 : index
        %get3A_296 = tpu.vector_load %arg4[%get3A_294, %get3A_295] {strides = array<i32>} : memref<96x224xf32, #tpu.memory_space<vmem>>, vector<1x16xf32>,
        %get3A_297 = vector.shape_cast %get3A_296 : vector<1x16xf32> to vector<16xf32>
        %max3A_298 = arith.constant 0.000000e+00 : f32
        %max3A_299 = vector.broadcast %max3A_298 : f32 to vector<16xf32>
        %max3A_300 = arith.maximumf %get3A_297, %max3A_299 : vector<16xf32>
        %swap3A_301 = arith.index_cast %scan3A_199 : i32 to index
        %swap3A_302 = arith.constant 128 : index
        %swap3A_303 = tpu.vector_load %arg6[%swap3A_301, %swap3A_302] {strides = array<i32>} : memref<96x224xf32, #tpu.memory_space<vmem>>, vector<1x16xf32>,
        %swap3A_304 = vector.shape_cast %swap3A_303 : vector<1x16xf32> to vector<16xf32>
        %swap3A_305 = vector.shape_cast %max3A_300 : vector<16xf32> to vector<1x16xf32>
        tpu.vector_store %arg6[%swap3A_301, %swap3A_302], %swap3A_305 {strides = array<i32>} : memref<96x224xf32, #tpu.memory_space<vmem>>, vector<1x16xf32>,
        %get3A_306 = arith.index_cast %scan3A_199 : i32 to index
        %get3A_307 = arith.constant 144 : index
        %get3A_308 = tpu.vector_load %arg4[%get3A_306, %get3A_307] {strides = array<i32>} : memref<96x224xf32, #tpu.memory_space<vmem>>, vector<1x16xf32>,
        %get3A_309 = vector.shape_cast %get3A_308 : vector<1x16xf32> to vector<16xf32>
        %max3A_310 = arith.constant 0.000000e+00 : f32
        %max3A_311 = vector.broadcast %max3A_310 : f32 to vector<16xf32>
        %max3A_312 = arith.maximumf %get3A_309, %max3A_311 : vector<16xf32>
        %swap3A_313 = arith.index_cast %scan3A_199 : i32 to index
        %swap3A_314 = arith.constant 144 : index
        %swap3A_315 = tpu.vector_load %arg6[%swap3A_313, %swap3A_314] {strides = array<i32>} : memref<96x224xf32, #tpu.memory_space<vmem>>, vector<1x16xf32>,
        %swap3A_316 = vector.shape_cast %swap3A_315 : vector<1x16xf32> to vector<16xf32>
        %swap3A_317 = vector.shape_cast %max3A_312 : vector<16xf32> to vector<1x16xf32>
        tpu.vector_store %arg6[%swap3A_313, %swap3A_314], %swap3A_317 {strides = array<i32>} : memref<96x224xf32, #tpu.memory_space<vmem>>, vector<1x16xf32>,
        %get3A_318 = arith.index_cast %scan3A_199 : i32 to index
        %get3A_319 = arith.constant 160 : index
        %get3A_320 = tpu.vector_load %arg4[%get3A_318, %get3A_319] {strides = array<i32>} : memref<96x224xf32, #tpu.memory_space<vmem>>, vector<1x16xf32>,
        %get3A_321 = vector.shape_cast %get3A_320 : vector<1x16xf32> to vector<16xf32>
        %max3A_322 = arith.constant 0.000000e+00 : f32
        %max3A_323 = vector.broadcast %max3A_322 : f32 to vector<16xf32>
        %max3A_324 = arith.maximumf %get3A_321, %max3A_323 : vector<16xf32>
        %swap3A_325 = arith.index_cast %scan3A_199 : i32 to index
        %swap3A_326 = arith.constant 160 : index
        %swap3A_327 = tpu.vector_load %arg6[%swap3A_325, %swap3A_326] {strides = array<i32>} : memref<96x224xf32, #tpu.memory_space<vmem>>, vector<1x16xf32>,
        %swap3A_328 = vector.shape_cast %swap3A_327 : vector<1x16xf32> to vector<16xf32>
        %swap3A_329 = vector.shape_cast %max3A_324 : vector<16xf32> to vector<1x16xf32>
        tpu.vector_store %arg6[%swap3A_325, %swap3A_326], %swap3A_329 {strides = array<i32>} : memref<96x224xf32, #tpu.memory_space<vmem>>, vector<1x16xf32>,
        %get3A_330 = arith.index_cast %scan3A_199 : i32 to index
        %get3A_331 = arith.constant 176 : index
        %get3A_332 = tpu.vector_load %arg4[%get3A_330, %get3A_331] {strides = array<i32>} : memref<96x224xf32, #tpu.memory_space<vmem>>, vector<1x16xf32>,
        %get3A_333 = vector.shape_cast %get3A_332 : vector<1x16xf32> to vector<16xf32>
        %max3A_334 = arith.constant 0.000000e+00 : f32
        %max3A_335 = vector.broadcast %max3A_334 : f32 to vector<16xf32>
        %max3A_336 = arith.maximumf %get3A_333, %max3A_335 : vector<16xf32>
        %swap3A_337 = arith.index_cast %scan3A_199 : i32 to index
        %swap3A_338 = arith.constant 176 : index
        %swap3A_339 = tpu.vector_load %arg6[%swap3A_337, %swap3A_338] {strides = array<i32>} : memref<96x224xf32, #tpu.memory_space<vmem>>, vector<1x16xf32>,
        %swap3A_340 = vector.shape_cast %swap3A_339 : vector<1x16xf32> to vector<16xf32>
        %swap3A_341 = vector.shape_cast %max3A_336 : vector<16xf32> to vector<1x16xf32>
        tpu.vector_store %arg6[%swap3A_337, %swap3A_338], %swap3A_341 {strides = array<i32>} : memref<96x224xf32, #tpu.memory_space<vmem>>, vector<1x16xf32>,
        %get3A_342 = arith.index_cast %scan3A_199 : i32 to index
        %get3A_343 = arith.constant 192 : index
        %get3A_344 = tpu.vector_load %arg4[%get3A_342, %get3A_343] {strides = array<i32>} : memref<96x224xf32, #tpu.memory_space<vmem>>, vector<1x16xf32>,
        %get3A_345 = vector.shape_cast %get3A_344 : vector<1x16xf32> to vector<16xf32>
        %max3A_346 = arith.constant 0.000000e+00 : f32
        %max3A_347 = vector.broadcast %max3A_346 : f32 to vector<16xf32>
        %max3A_348 = arith.maximumf %get3A_345, %max3A_347 : vector<16xf32>
        %swap3A_349 = arith.index_cast %scan3A_199 : i32 to index
        %swap3A_350 = arith.constant 192 : index
        %swap3A_351 = tpu.vector_load %arg6[%swap3A_349, %swap3A_350] {strides = array<i32>} : memref<96x224xf32, #tpu.memory_space<vmem>>, vector<1x16xf32>,
        %swap3A_352 = vector.shape_cast %swap3A_351 : vector<1x16xf32> to vector<16xf32>
        %swap3A_353 = vector.shape_cast %max3A_348 : vector<16xf32> to vector<1x16xf32>
        tpu.vector_store %arg6[%swap3A_349, %swap3A_350], %swap3A_353 {strides = array<i32>} : memref<96x224xf32, #tpu.memory_space<vmem>>, vector<1x16xf32>,
        %get3A_354 = arith.index_cast %scan3A_199 : i32 to index
        %get3A_355 = arith.constant 208 : index
        %get3A_356 = tpu.vector_load %arg4[%get3A_354, %get3A_355] {strides = array<i32>} : memref<96x224xf32, #tpu.memory_space<vmem>>, vector<1x16xf32>,
        %get3A_357 = vector.shape_cast %get3A_356 : vector<1x16xf32> to vector<16xf32>
        %max3A_358 = arith.constant 0.000000e+00 : f32
        %max3A_359 = vector.broadcast %max3A_358 : f32 to vector<16xf32>
        %max3A_360 = arith.maximumf %get3A_357, %max3A_359 : vector<16xf32>
        %swap3A_361 = arith.index_cast %scan3A_199 : i32 to index
        %swap3A_362 = arith.constant 208 : index
        %swap3A_363 = tpu.vector_load %arg6[%swap3A_361, %swap3A_362] {strides = array<i32>} : memref<96x224xf32, #tpu.memory_space<vmem>>, vector<1x16xf32>,
        %swap3A_364 = vector.shape_cast %swap3A_363 : vector<1x16xf32> to vector<16xf32>
        %swap3A_365 = vector.shape_cast %max3A_360 : vector<16xf32> to vector<1x16xf32>
        tpu.vector_store %arg6[%swap3A_361, %swap3A_362], %swap3A_365 {strides = array<i32>} : memref<96x224xf32, #tpu.memory_space<vmem>>, vector<1x16xf32>,
        %scan3A_366 = arith.constant 0 : i32
        %scan3A_367 = arith.constant 1 : i32
        %scan3A_368 = arith.addi %scan3A_199, %scan3A_367 : i32
        %get3A_369 = arith.index_cast %scan3A_368 : i32 to index
        %get3A_370 = arith.constant 0 : index
        %get3A_371 = tpu.vector_load %arg4[%get3A_369, %get3A_370] {strides = array<i32>} : memref<96x224xf32, #tpu.memory_space<vmem>>, vector<1x16xf32>,
        %get3A_372 = vector.shape_cast %get3A_371 : vector<1x16xf32> to vector<16xf32>
        %max3A_373 = arith.constant 0.000000e+00 : f32
        %max3A_374 = vector.broadcast %max3A_373 : f32 to vector<16xf32>
        %max3A_375 = arith.maximumf %get3A_372, %max3A_374 : vector<16xf32>
        %swap3A_376 = arith.index_cast %scan3A_368 : i32 to index
        %swap3A_377 = arith.constant 0 : index
        %swap3A_378 = tpu.vector_load %arg6[%swap3A_376, %swap3A_377] {strides = array<i32>} : memref<96x224xf32, #tpu.memory_space<vmem>>, vector<1x16xf32>,
        %swap3A_379 = vector.shape_cast %swap3A_378 : vector<1x16xf32> to vector<16xf32>
        %swap3A_380 = vector.shape_cast %max3A_375 : vector<16xf32> to vector<1x16xf32>
        tpu.vector_store %arg6[%swap3A_376, %swap3A_377], %swap3A_380 {strides = array<i32>} : memref<96x224xf32, #tpu.memory_space<vmem>>, vector<1x16xf32>,
        %get3A_381 = arith.index_cast %scan3A_368 : i32 to index
        %get3A_382 = arith.constant 16 : index
        %get3A_383 = tpu.vector_load %arg4[%get3A_381, %get3A_382] {strides = array<i32>} : memref<96x224xf32, #tpu.memory_space<vmem>>, vector<1x16xf32>,
        %get3A_384 = vector.shape_cast %get3A_383 : vector<1x16xf32> to vector<16xf32>
        %max3A_385 = arith.constant 0.000000e+00 : f32
        %max3A_386 = vector.broadcast %max3A_385 : f32 to vector<16xf32>
        %max3A_387 = arith.maximumf %get3A_384, %max3A_386 : vector<16xf32>
        %swap3A_388 = arith.index_cast %scan3A_368 : i32 to index
        %swap3A_389 = arith.constant 16 : index
        %swap3A_390 = tpu.vector_load %arg6[%swap3A_388, %swap3A_389] {strides = array<i32>} : memref<96x224xf32, #tpu.memory_space<vmem>>, vector<1x16xf32>,
        %swap3A_391 = vector.shape_cast %swap3A_390 : vector<1x16xf32> to vector<16xf32>
        %swap3A_392 = vector.shape_cast %max3A_387 : vector<16xf32> to vector<1x16xf32>
        tpu.vector_store %arg6[%swap3A_388, %swap3A_389], %swap3A_392 {strides = array<i32>} : memref<96x224xf32, #tpu.memory_space<vmem>>, vector<1x16xf32>,
        %get3A_393 = arith.index_cast %scan3A_368 : i32 to index
        %get3A_394 = arith.constant 32 : index
        %get3A_395 = tpu.vector_load %arg4[%get3A_393, %get3A_394] {strides = array<i32>} : memref<96x224xf32, #tpu.memory_space<vmem>>, vector<1x16xf32>,
        %get3A_396 = vector.shape_cast %get3A_395 : vector<1x16xf32> to vector<16xf32>
        %max3A_397 = arith.constant 0.000000e+00 : f32
        %max3A_398 = vector.broadcast %max3A_397 : f32 to vector<16xf32>
        %max3A_399 = arith.maximumf %get3A_396, %max3A_398 : vector<16xf32>
        %swap3A_400 = arith.index_cast %scan3A_368 : i32 to index
        %swap3A_401 = arith.constant 32 : index
        %swap3A_402 = tpu.vector_load %arg6[%swap3A_400, %swap3A_401] {strides = array<i32>} : memref<96x224xf32, #tpu.memory_space<vmem>>, vector<1x16xf32>,
        %swap3A_403 = vector.shape_cast %swap3A_402 : vector<1x16xf32> to vector<16xf32>
        %swap3A_404 = vector.shape_cast %max3A_399 : vector<16xf32> to vector<1x16xf32>
        tpu.vector_store %arg6[%swap3A_400, %swap3A_401], %swap3A_404 {strides = array<i32>} : memref<96x224xf32, #tpu.memory_space<vmem>>, vector<1x16xf32>,
        %get3A_405 = arith.index_cast %scan3A_368 : i32 to index
        %get3A_406 = arith.constant 48 : index
        %get3A_407 = tpu.vector_load %arg4[%get3A_405, %get3A_406] {strides = array<i32>} : memref<96x224xf32, #tpu.memory_space<vmem>>, vector<1x16xf32>,
        %get3A_408 = vector.shape_cast %get3A_407 : vector<1x16xf32> to vector<16xf32>
        %max3A_409 = arith.constant 0.000000e+00 : f32
        %max3A_410 = vector.broadcast %max3A_409 : f32 to vector<16xf32>
        %max3A_411 = arith.maximumf %get3A_408, %max3A_410 : vector<16xf32>
        %swap3A_412 = arith.index_cast %scan3A_368 : i32 to index
        %swap3A_413 = arith.constant 48 : index
        %swap3A_414 = tpu.vector_load %arg6[%swap3A_412, %swap3A_413] {strides = array<i32>} : memref<96x224xf32, #tpu.memory_space<vmem>>, vector<1x16xf32>,
        %swap3A_415 = vector.shape_cast %swap3A_414 : vector<1x16xf32> to vector<16xf32>
        %swap3A_416 = vector.shape_cast %max3A_411 : vector<16xf32> to vector<1x16xf32>
        tpu.vector_store %arg6[%swap3A_412, %swap3A_413], %swap3A_416 {strides = array<i32>} : memref<96x224xf32, #tpu.memory_space<vmem>>, vector<1x16xf32>,
        %get3A_417 = arith.index_cast %scan3A_368 : i32 to index
        %get3A_418 = arith.constant 64 : index
        %get3A_419 = tpu.vector_load %arg4[%get3A_417, %get3A_418] {strides = array<i32>} : memref<96x224xf32, #tpu.memory_space<vmem>>, vector<1x16xf32>,
        %get3A_420 = vector.shape_cast %get3A_419 : vector<1x16xf32> to vector<16xf32>
        %max3A_421 = arith.constant 0.000000e+00 : f32
        %max3A_422 = vector.broadcast %max3A_421 : f32 to vector<16xf32>
        %max3A_423 = arith.maximumf %get3A_420, %max3A_422 : vector<16xf32>
        %swap3A_424 = arith.index_cast %scan3A_368 : i32 to index
        %swap3A_425 = arith.constant 64 : index
        %swap3A_426 = tpu.vector_load %arg6[%swap3A_424, %swap3A_425] {strides = array<i32>} : memref<96x224xf32, #tpu.memory_space<vmem>>, vector<1x16xf32>,
        %swap3A_427 = vector.shape_cast %swap3A_426 : vector<1x16xf32> to vector<16xf32>
        %swap3A_428 = vector.shape_cast %max3A_423 : vector<16xf32> to vector<1x16xf32>
        tpu.vector_store %arg6[%swap3A_424, %swap3A_425], %swap3A_428 {strides = array<i32>} : memref<96x224xf32, #tpu.memory_space<vmem>>, vector<1x16xf32>,
        %get3A_429 = arith.index_cast %scan3A_368 : i32 to index
        %get3A_430 = arith.constant 80 : index
        %get3A_431 = tpu.vector_load %arg4[%get3A_429, %get3A_430] {strides = array<i32>} : memref<96x224xf32, #tpu.memory_space<vmem>>, vector<1x16xf32>,
        %get3A_432 = vector.shape_cast %get3A_431 : vector<1x16xf32> to vector<16xf32>
        %max3A_433 = arith.constant 0.000000e+00 : f32
        %max3A_434 = vector.broadcast %max3A_433 : f32 to vector<16xf32>
        %max3A_435 = arith.maximumf %get3A_432, %max3A_434 : vector<16xf32>
        %swap3A_436 = arith.index_cast %scan3A_368 : i32 to index
        %swap3A_437 = arith.constant 80 : index
        %swap3A_438 = tpu.vector_load %arg6[%swap3A_436, %swap3A_437] {strides = array<i32>} : memref<96x224xf32, #tpu.memory_space<vmem>>, vector<1x16xf32>,
        %swap3A_439 = vector.shape_cast %swap3A_438 : vector<1x16xf32> to vector<16xf32>
        %swap3A_440 = vector.shape_cast %max3A_435 : vector<16xf32> to vector<1x16xf32>
        tpu.vector_store %arg6[%swap3A_436, %swap3A_437], %swap3A_440 {strides = array<i32>} : memref<96x224xf32, #tpu.memory_space<vmem>>, vector<1x16xf32>,
        %get3A_441 = arith.index_cast %scan3A_368 : i32 to index
        %get3A_442 = arith.constant 96 : index
        %get3A_443 = tpu.vector_load %arg4[%get3A_441, %get3A_442] {strides = array<i32>} : memref<96x224xf32, #tpu.memory_space<vmem>>, vector<1x16xf32>,
        %get3A_444 = vector.shape_cast %get3A_443 : vector<1x16xf32> to vector<16xf32>
        %max3A_445 = arith.constant 0.000000e+00 : f32
        %max3A_446 = vector.broadcast %max3A_445 : f32 to vector<16xf32>
        %max3A_447 = arith.maximumf %get3A_444, %max3A_446 : vector<16xf32>
        %swap3A_448 = arith.index_cast %scan3A_368 : i32 to index
        %swap3A_449 = arith.constant 96 : index
        %swap3A_450 = tpu.vector_load %arg6[%swap3A_448, %swap3A_449] {strides = array<i32>} : memref<96x224xf32, #tpu.memory_space<vmem>>, vector<1x16xf32>,
        %swap3A_451 = vector.shape_cast %swap3A_450 : vector<1x16xf32> to vector<16xf32>
        %swap3A_452 = vector.shape_cast %max3A_447 : vector<16xf32> to vector<1x16xf32>
        tpu.vector_store %arg6[%swap3A_448, %swap3A_449], %swap3A_452 {strides = array<i32>} : memref<96x224xf32, #tpu.memory_space<vmem>>, vector<1x16xf32>,
        %get3A_453 = arith.index_cast %scan3A_368 : i32 to index
        %get3A_454 = arith.constant 112 : index
        %get3A_455 = tpu.vector_load %arg4[%get3A_453, %get3A_454] {strides = array<i32>} : memref<96x224xf32, #tpu.memory_space<vmem>>, vector<1x16xf32>,
        %get3A_456 = vector.shape_cast %get3A_455 : vector<1x16xf32> to vector<16xf32>
        %max3A_457 = arith.constant 0.000000e+00 : f32
        %max3A_458 = vector.broadcast %max3A_457 : f32 to vector<16xf32>
        %max3A_459 = arith.maximumf %get3A_456, %max3A_458 : vector<16xf32>
        %swap3A_460 = arith.index_cast %scan3A_368 : i32 to index
        %swap3A_461 = arith.constant 112 : index
        %swap3A_462 = tpu.vector_load %arg6[%swap3A_460, %swap3A_461] {strides = array<i32>} : memref<96x224xf32, #tpu.memory_space<vmem>>, vector<1x16xf32>,
        %swap3A_463 = vector.shape_cast %swap3A_462 : vector<1x16xf32> to vector<16xf32>
        %swap3A_464 = vector.shape_cast %max3A_459 : vector<16xf32> to vector<1x16xf32>
        tpu.vector_store %arg6[%swap3A_460, %swap3A_461], %swap3A_464 {strides = array<i32>} : memref<96x224xf32, #tpu.memory_space<vmem>>, vector<1x16xf32>,
        %get3A_465 = arith.index_cast %scan3A_368 : i32 to index
        %get3A_466 = arith.constant 128 : index
        %get3A_467 = tpu.vector_load %arg4[%get3A_465, %get3A_466] {strides = array<i32>} : memref<96x224xf32, #tpu.memory_space<vmem>>, vector<1x16xf32>,
        %get3A_468 = vector.shape_cast %get3A_467 : vector<1x16xf32> to vector<16xf32>
        %max3A_469 = arith.constant 0.000000e+00 : f32
        %max3A_470 = vector.broadcast %max3A_469 : f32 to vector<16xf32>
        %max3A_471 = arith.maximumf %get3A_468, %max3A_470 : vector<16xf32>
        %swap3A_472 = arith.index_cast %scan3A_368 : i32 to index
        %swap3A_473 = arith.constant 128 : index
        %swap3A_474 = tpu.vector_load %arg6[%swap3A_472, %swap3A_473] {strides = array<i32>} : memref<96x224xf32, #tpu.memory_space<vmem>>, vector<1x16xf32>,
        %swap3A_475 = vector.shape_cast %swap3A_474 : vector<1x16xf32> to vector<16xf32>
        %swap3A_476 = vector.shape_cast %max3A_471 : vector<16xf32> to vector<1x16xf32>
        tpu.vector_store %arg6[%swap3A_472, %swap3A_473], %swap3A_476 {strides = array<i32>} : memref<96x224xf32, #tpu.memory_space<vmem>>, vector<1x16xf32>,
        %get3A_477 = arith.index_cast %scan3A_368 : i32 to index
        %get3A_478 = arith.constant 144 : index
        %get3A_479 = tpu.vector_load %arg4[%get3A_477, %get3A_478] {strides = array<i32>} : memref<96x224xf32, #tpu.memory_space<vmem>>, vector<1x16xf32>,
        %get3A_480 = vector.shape_cast %get3A_479 : vector<1x16xf32> to vector<16xf32>
        %max3A_481 = arith.constant 0.000000e+00 : f32
        %max3A_482 = vector.broadcast %max3A_481 : f32 to vector<16xf32>
        %max3A_483 = arith.maximumf %get3A_480, %max3A_482 : vector<16xf32>
        %swap3A_484 = arith.index_cast %scan3A_368 : i32 to index
        %swap3A_485 = arith.constant 144 : index
        %swap3A_486 = tpu.vector_load %arg6[%swap3A_484, %swap3A_485] {strides = array<i32>} : memref<96x224xf32, #tpu.memory_space<vmem>>, vector<1x16xf32>,
        %swap3A_487 = vector.shape_cast %swap3A_486 : vector<1x16xf32> to vector<16xf32>
        %swap3A_488 = vector.shape_cast %max3A_483 : vector<16xf32> to vector<1x16xf32>
        tpu.vector_store %arg6[%swap3A_484, %swap3A_485], %swap3A_488 {strides = array<i32>} : memref<96x224xf32, #tpu.memory_space<vmem>>, vector<1x16xf32>,
        %get3A_489 = arith.index_cast %scan3A_368 : i32 to index
        %get3A_490 = arith.constant 160 : index
        %get3A_491 = tpu.vector_load %arg4[%get3A_489, %get3A_490] {strides = array<i32>} : memref<96x224xf32, #tpu.memory_space<vmem>>, vector<1x16xf32>,
        %get3A_492 = vector.shape_cast %get3A_491 : vector<1x16xf32> to vector<16xf32>
        %max3A_493 = arith.constant 0.000000e+00 : f32
        %max3A_494 = vector.broadcast %max3A_493 : f32 to vector<16xf32>
        %max3A_495 = arith.maximumf %get3A_492, %max3A_494 : vector<16xf32>
        %swap3A_496 = arith.index_cast %scan3A_368 : i32 to index
        %swap3A_497 = arith.constant 160 : index
        %swap3A_498 = tpu.vector_load %arg6[%swap3A_496, %swap3A_497] {strides = array<i32>} : memref<96x224xf32, #tpu.memory_space<vmem>>, vector<1x16xf32>,
        %swap3A_499 = vector.shape_cast %swap3A_498 : vector<1x16xf32> to vector<16xf32>
        %swap3A_500 = vector.shape_cast %max3A_495 : vector<16xf32> to vector<1x16xf32>
        tpu.vector_store %arg6[%swap3A_496, %swap3A_497], %swap3A_500 {strides = array<i32>} : memref<96x224xf32, #tpu.memory_space<vmem>>, vector<1x16xf32>,
        %get3A_501 = arith.index_cast %scan3A_368 : i32 to index
        %get3A_502 = arith.constant 176 : index
        %get3A_503 = tpu.vector_load %arg4[%get3A_501, %get3A_502] {strides = array<i32>} : memref<96x224xf32, #tpu.memory_space<vmem>>, vector<1x16xf32>,
        %get3A_504 = vector.shape_cast %get3A_503 : vector<1x16xf32> to vector<16xf32>
        %max3A_505 = arith.constant 0.000000e+00 : f32
        %max3A_506 = vector.broadcast %max3A_505 : f32 to vector<16xf32>
        %max3A_507 = arith.maximumf %get3A_504, %max3A_506 : vector<16xf32>
        %swap3A_508 = arith.index_cast %scan3A_368 : i32 to index
        %swap3A_509 = arith.constant 176 : index
        %swap3A_510 = tpu.vector_load %arg6[%swap3A_508, %swap3A_509] {strides = array<i32>} : memref<96x224xf32, #tpu.memory_space<vmem>>, vector<1x16xf32>,
        %swap3A_511 = vector.shape_cast %swap3A_510 : vector<1x16xf32> to vector<16xf32>
        %swap3A_512 = vector.shape_cast %max3A_507 : vector<16xf32> to vector<1x16xf32>
        tpu.vector_store %arg6[%swap3A_508, %swap3A_509], %swap3A_512 {strides = array<i32>} : memref<96x224xf32, #tpu.memory_space<vmem>>, vector<1x16xf32>,
        %get3A_513 = arith.index_cast %scan3A_368 : i32 to index
        %get3A_514 = arith.constant 192 : index
        %get3A_515 = tpu.vector_load %arg4[%get3A_513, %get3A_514] {strides = array<i32>} : memref<96x224xf32, #tpu.memory_space<vmem>>, vector<1x16xf32>,
        %get3A_516 = vector.shape_cast %get3A_515 : vector<1x16xf32> to vector<16xf32>
        %max3A_517 = arith.constant 0.000000e+00 : f32
        %max3A_518 = vector.broadcast %max3A_517 : f32 to vector<16xf32>
        %max3A_519 = arith.maximumf %get3A_516, %max3A_518 : vector<16xf32>
        %swap3A_520 = arith.index_cast %scan3A_368 : i32 to index
        %swap3A_521 = arith.constant 192 : index
        %swap3A_522 = tpu.vector_load %arg6[%swap3A_520, %swap3A_521] {strides = array<i32>} : memref<96x224xf32, #tpu.memory_space<vmem>>, vector<1x16xf32>,
        %swap3A_523 = vector.shape_cast %swap3A_522 : vector<1x16xf32> to vector<16xf32>
        %swap3A_524 = vector.shape_cast %max3A_519 : vector<16xf32> to vector<1x16xf32>
        tpu.vector_store %arg6[%swap3A_520, %swap3A_521], %swap3A_524 {strides = array<i32>} : memref<96x224xf32, #tpu.memory_space<vmem>>, vector<1x16xf32>,
        %get3A_525 = arith.index_cast %scan3A_368 : i32 to index
        %get3A_526 = arith.constant 208 : index
        %get3A_527 = tpu.vector_load %arg4[%get3A_525, %get3A_526] {strides = array<i32>} : memref<96x224xf32, #tpu.memory_space<vmem>>, vector<1x16xf32>,
        %get3A_528 = vector.shape_cast %get3A_527 : vector<1x16xf32> to vector<16xf32>
        %max3A_529 = arith.constant 0.000000e+00 : f32
        %max3A_530 = vector.broadcast %max3A_529 : f32 to vector<16xf32>
        %max3A_531 = arith.maximumf %get3A_528, %max3A_530 : vector<16xf32>
        %swap3A_532 = arith.index_cast %scan3A_368 : i32 to index
        %swap3A_533 = arith.constant 208 : index
        %swap3A_534 = tpu.vector_load %arg6[%swap3A_532, %swap3A_533] {strides = array<i32>} : memref<96x224xf32, #tpu.memory_space<vmem>>, vector<1x16xf32>,
        %swap3A_535 = vector.shape_cast %swap3A_534 : vector<1x16xf32> to vector<16xf32>
        %swap3A_536 = vector.shape_cast %max3A_531 : vector<16xf32> to vector<1x16xf32>
        tpu.vector_store %arg6[%swap3A_532, %swap3A_533], %swap3A_536 {strides = array<i32>} : memref<96x224xf32, #tpu.memory_space<vmem>>, vector<1x16xf32>,
        %scan3A_537 = arith.constant 0 : i32
        scf.yield %scan3A_537 : i32
      }
      %scan3A_140 = arith.constant 96 : i32
      %add3A_141 = arith.addi %mul3A_72, %add3A_122 : i32
      %dma_start3A_142 = arith.constant 0 : i32
      %dma_start3A_143 = arith.constant 0 : i32
      %dma_start3A_144 = tpu.memref_slice %arg3[%select_n3A, %select_n3A_54, %add3A_141, %dma_start3A_142, %dma_start3A_143] : memref<4x2x224x96x224xf32, #tpu.memory_space<hbm>> -> memref<1x1x1x96x224xf32, #tpu.memory_space<hbm>>
      %dma_start3A_145 = tpu.memref_squeeze %dma_start3A_144 : memref<1x1x1x96x224xf32, #tpu.memory_space<hbm>> -> memref<96x224xf32, #tpu.memory_space<hbm>>
      %dma_start3A_146 = arith.constant 0 : i32
      %dma_start3A_147 = arith.constant 0 : i32
      %dma_start3A_148 = tpu.memref_slice %arg3[%select_n3A, %select_n3A_54, %add3A_141, %dma_start3A_146, %dma_start3A_147] : memref<4x2x224x96x224xf32, #tpu.memory_space<hbm>> -> memref<1x1x1x96x224xf32, #tpu.memory_space<hbm>>
      %dma_start3A_149 = tpu.memref_squeeze %dma_start3A_148 : memref<1x1x1x96x224xf32, #tpu.memory_space<hbm>> -> memref<96x224xf32, #tpu.memory_space<hbm>>
      tpu.enqueue_dma source(%arg6 : memref<96x224xf32, #tpu.memory_space<vmem>>) target(%dma_start3A_149 : memref<96x224xf32, #tpu.memory_space<hbm>>) target_semaphore(%arg10 : memref<!tpu.dma_semaphore, #tpu.memory_space<semaphore_mem>>)
      %add3A_150 = arith.constant 2 : i32
      %add3A_151 = arith.addi %add3A_122, %add3A_150 : i32
      %lt3A_152 = arith.constant 56 : i32
      %lt3A_153 = arith.cmpi slt, %add3A_151, %lt3A_152 : i32
      %convert_element_type3A_154 = arith.extui %lt3A_153 : i1 to i32
      %cond3A_155 = arith.constant 0 : i32
      %cond3A_156 = arith.cmpi ne, %convert_element_type3A_154, %cond3A_155 : i32
      scf.if %cond3A_156 {
        %add3A_199 = arith.constant 2 : i32
        %add3A_200 = arith.addi %add3A_122, %add3A_199 : i32
        %add3A_201 = arith.addi %mul3A_72, %add3A_200 : i32
        %dma_start3A_202 = arith.constant 0 : i32
        %dma_start3A_203 = arith.constant 0 : i32
        %dma_start3A_204 = tpu.memref_slice %arg2[%select_n3A, %select_n3A_54, %add3A_201, %dma_start3A_202, %dma_start3A_203] : memref<4x2x224x96x224xf32, #tpu.memory_space<hbm>> -> memref<1x1x1x96x224xf32, #tpu.memory_space<hbm>>
        %dma_start3A_205 = tpu.memref_squeeze %dma_start3A_204 : memref<1x1x1x96x224xf32, #tpu.memory_space<hbm>> -> memref<96x224xf32, #tpu.memory_space<hbm>>
        %dma_start3A_206 = arith.constant 0 : i32
        %dma_start3A_207 = arith.constant 0 : i32
        %dma_start3A_208 = tpu.memref_slice %arg2[%select_n3A, %select_n3A_54, %add3A_201, %dma_start3A_206, %dma_start3A_207] : memref<4x2x224x96x224xf32, #tpu.memory_space<hbm>> -> memref<1x1x1x96x224xf32, #tpu.memory_space<hbm>>
        %dma_start3A_209 = tpu.memref_squeeze %dma_start3A_208 : memref<1x1x1x96x224xf32, #tpu.memory_space<hbm>> -> memref<96x224xf32, #tpu.memory_space<hbm>>
        tpu.enqueue_dma source(%dma_start3A_209 : memref<96x224xf32, #tpu.memory_space<hbm>>) target(%arg4 : memref<96x224xf32, #tpu.memory_space<vmem>>) target_semaphore(%arg8 : memref<!tpu.dma_semaphore, #tpu.memory_space<semaphore_mem>>)
      } else {
      }
      %mul3A_157 = arith.constant 2 : i32
      %mul3A_158 = arith.muli %scan3A_117, %mul3A_157 : i32
      %add3A_159 = arith.constant 1 : i32
      %add3A_160 = arith.addi %mul3A_158, %add3A_159 : i32
      %gt3A_161 = arith.constant 0 : i32
      %gt3A_162 = arith.cmpi sgt, %scan3A_117, %gt3A_161 : i32
      %convert_element_type3A_163 = arith.extui %gt3A_162 : i1 to i32
      %cond3A_164 = arith.constant 0 : i32
      %cond3A_165 = arith.cmpi ne, %convert_element_type3A_163, %cond3A_164 : i32
      scf.if %cond3A_165 {
        %sub3A_199 = arith.constant 2 : i32
        %sub3A_200 = arith.subi %add3A_160, %sub3A_199 : i32
        %add3A_201 = arith.addi %mul3A_72, %sub3A_200 : i32
        %dma_wait3A_202 = arith.constant 0 : i32
        %dma_wait3A_203 = arith.constant 0 : i32
        %dma_wait3A_204 = tpu.memref_slice %arg3[%select_n3A, %select_n3A_54, %add3A_201, %dma_wait3A_202, %dma_wait3A_203] : memref<4x2x224x96x224xf32, #tpu.memory_space<hbm>> -> memref<1x1x1x96x224xf32, #tpu.memory_space<hbm>>
        %dma_wait3A_205 = tpu.memref_squeeze %dma_wait3A_204 : memref<1x1x1x96x224xf32, #tpu.memory_space<hbm>> -> memref<96x224xf32, #tpu.memory_space<hbm>>
        %dma_wait3A_206 = arith.constant 0 : i32
        %dma_wait3A_207 = arith.constant 0 : i32
        %dma_wait3A_208 = tpu.memref_slice %arg3[%select_n3A, %select_n3A_54, %add3A_201, %dma_wait3A_206, %dma_wait3A_207] : memref<4x2x224x96x224xf32, #tpu.memory_space<hbm>> -> memref<1x1x1x96x224xf32, #tpu.memory_space<hbm>>
        %dma_wait3A_209 = tpu.memref_squeeze %dma_wait3A_208 : memref<1x1x1x96x224xf32, #tpu.memory_space<hbm>> -> memref<96x224xf32, #tpu.memory_space<hbm>>
        tpu.wait_dma2 semaphore(%arg11 : memref<!tpu.dma_semaphore, #tpu.memory_space<semaphore_mem>>) src(%arg7 : memref<96x224xf32, #tpu.memory_space<vmem>>) dst(%dma_wait3A_209 : memref<96x224xf32, #tpu.memory_space<hbm>>)
      } else {
      }
      %add3A_166 = arith.addi %mul3A_72, %add3A_160 : i32
      %dma_wait3A_167 = arith.constant 0 : i32
      %dma_wait3A_168 = arith.constant 0 : i32
      %dma_wait3A_169 = tpu.memref_slice %arg2[%select_n3A, %select_n3A_54, %add3A_166, %dma_wait3A_167, %dma_wait3A_168] : memref<4x2x224x96x224xf32, #tpu.memory_space<hbm>> -> memref<1x1x1x96x224xf32, #tpu.memory_space<hbm>>
      %dma_wait3A_170 = tpu.memref_squeeze %dma_wait3A_169 : memref<1x1x1x96x224xf32, #tpu.memory_space<hbm>> -> memref<96x224xf32, #tpu.memory_space<hbm>>
      %dma_wait3A_171 = arith.constant 0 : i32
      %dma_wait3A_172 = arith.constant 0 : i32
      %dma_wait3A_173 = tpu.memref_slice %arg2[%select_n3A, %select_n3A_54, %add3A_166, %dma_wait3A_171, %dma_wait3A_172] : memref<4x2x224x96x224xf32, #tpu.memory_space<hbm>> -> memref<1x1x1x96x224xf32, #tpu.memory_space<hbm>>
      %dma_wait3A_174 = tpu.memref_squeeze %dma_wait3A_173 : memref<1x1x1x96x224xf32, #tpu.memory_space<hbm>> -> memref<96x224xf32, #tpu.memory_space<hbm>>
      tpu.wait_dma2 semaphore(%arg9 : memref<!tpu.dma_semaphore, #tpu.memory_space<semaphore_mem>>) src(%dma_wait3A_174 : memref<96x224xf32, #tpu.memory_space<hbm>>) dst(%arg5 : memref<96x224xf32, #tpu.memory_space<vmem>>)
      %scan3A_175 = arith.constant 0 : i32
      %scan3A_176 = arith.constant 0 : i32
      %scan3A_177 = arith.constant 96 : i32
      %scan3A_178 = arith.addi %scan3A_176, %scan3A_177 : i32
      %scan3A_179 = arith.constant 2 : i32
      %scan3A_180 = scf.for %scan3A_199 = %scan3A_176 to %scan3A_178 step %scan3A_179 iter_args(%scan3A_200 = %scan3A_175) -> (i32)  : i32 {
        %get3A = arith.index_cast %scan3A_199 : i32 to index
        %get3A_201 = arith.constant 0 : index
        %get3A_202 = tpu.vector_load %arg5[%get3A, %get3A_201] {strides = array<i32>} : memref<96x224xf32, #tpu.memory_space<vmem>>, vector<1x16xf32>,
        %get3A_203 = vector.shape_cast %get3A_202 : vector<1x16xf32> to vector<16xf32>
        %max3A = arith.constant 0.000000e+00 : f32
        %max3A_204 = vector.broadcast %max3A : f32 to vector<16xf32>
        %max3A_205 = arith.maximumf %get3A_203, %max3A_204 : vector<16xf32>
        %swap3A = arith.index_cast %scan3A_199 : i32 to index
        %swap3A_206 = arith.constant 0 : index
        %swap3A_207 = tpu.vector_load %arg7[%swap3A, %swap3A_206] {strides = array<i32>} : memref<96x224xf32, #tpu.memory_space<vmem>>, vector<1x16xf32>,
        %swap3A_208 = vector.shape_cast %swap3A_207 : vector<1x16xf32> to vector<16xf32>
        %swap3A_209 = vector.shape_cast %max3A_205 : vector<16xf32> to vector<1x16xf32>
        tpu.vector_store %arg7[%swap3A, %swap3A_206], %swap3A_209 {strides = array<i32>} : memref<96x224xf32, #tpu.memory_space<vmem>>, vector<1x16xf32>,
        %get3A_210 = arith.index_cast %scan3A_199 : i32 to index
        %get3A_211 = arith.constant 16 : index
        %get3A_212 = tpu.vector_load %arg5[%get3A_210, %get3A_211] {strides = array<i32>} : memref<96x224xf32, #tpu.memory_space<vmem>>, vector<1x16xf32>,
        %get3A_213 = vector.shape_cast %get3A_212 : vector<1x16xf32> to vector<16xf32>
        %max3A_214 = arith.constant 0.000000e+00 : f32
        %max3A_215 = vector.broadcast %max3A_214 : f32 to vector<16xf32>
        %max3A_216 = arith.maximumf %get3A_213, %max3A_215 : vector<16xf32>
        %swap3A_217 = arith.index_cast %scan3A_199 : i32 to index
        %swap3A_218 = arith.constant 16 : index
        %swap3A_219 = tpu.vector_load %arg7[%swap3A_217, %swap3A_218] {strides = array<i32>} : memref<96x224xf32, #tpu.memory_space<vmem>>, vector<1x16xf32>,
        %swap3A_220 = vector.shape_cast %swap3A_219 : vector<1x16xf32> to vector<16xf32>
        %swap3A_221 = vector.shape_cast %max3A_216 : vector<16xf32> to vector<1x16xf32>
        tpu.vector_store %arg7[%swap3A_217, %swap3A_218], %swap3A_221 {strides = array<i32>} : memref<96x224xf32, #tpu.memory_space<vmem>>, vector<1x16xf32>,
        %get3A_222 = arith.index_cast %scan3A_199 : i32 to index
        %get3A_223 = arith.constant 32 : index
        %get3A_224 = tpu.vector_load %arg5[%get3A_222, %get3A_223] {strides = array<i32>} : memref<96x224xf32, #tpu.memory_space<vmem>>, vector<1x16xf32>,
        %get3A_225 = vector.shape_cast %get3A_224 : vector<1x16xf32> to vector<16xf32>
        %max3A_226 = arith.constant 0.000000e+00 : f32
        %max3A_227 = vector.broadcast %max3A_226 : f32 to vector<16xf32>
        %max3A_228 = arith.maximumf %get3A_225, %max3A_227 : vector<16xf32>
        %swap3A_229 = arith.index_cast %scan3A_199 : i32 to index
        %swap3A_230 = arith.constant 32 : index
        %swap3A_231 = tpu.vector_load %arg7[%swap3A_229, %swap3A_230] {strides = array<i32>} : memref<96x224xf32, #tpu.memory_space<vmem>>, vector<1x16xf32>,
        %swap3A_232 = vector.shape_cast %swap3A_231 : vector<1x16xf32> to vector<16xf32>
        %swap3A_233 = vector.shape_cast %max3A_228 : vector<16xf32> to vector<1x16xf32>
        tpu.vector_store %arg7[%swap3A_229, %swap3A_230], %swap3A_233 {strides = array<i32>} : memref<96x224xf32, #tpu.memory_space<vmem>>, vector<1x16xf32>,
        %get3A_234 = arith.index_cast %scan3A_199 : i32 to index
        %get3A_235 = arith.constant 48 : index
        %get3A_236 = tpu.vector_load %arg5[%get3A_234, %get3A_235] {strides = array<i32>} : memref<96x224xf32, #tpu.memory_space<vmem>>, vector<1x16xf32>,
        %get3A_237 = vector.shape_cast %get3A_236 : vector<1x16xf32> to vector<16xf32>
        %max3A_238 = arith.constant 0.000000e+00 : f32
        %max3A_239 = vector.broadcast %max3A_238 : f32 to vector<16xf32>
        %max3A_240 = arith.maximumf %get3A_237, %max3A_239 : vector<16xf32>
        %swap3A_241 = arith.index_cast %scan3A_199 : i32 to index
        %swap3A_242 = arith.constant 48 : index
        %swap3A_243 = tpu.vector_load %arg7[%swap3A_241, %swap3A_242] {strides = array<i32>} : memref<96x224xf32, #tpu.memory_space<vmem>>, vector<1x16xf32>,
        %swap3A_244 = vector.shape_cast %swap3A_243 : vector<1x16xf32> to vector<16xf32>
        %swap3A_245 = vector.shape_cast %max3A_240 : vector<16xf32> to vector<1x16xf32>
        tpu.vector_store %arg7[%swap3A_241, %swap3A_242], %swap3A_245 {strides = array<i32>} : memref<96x224xf32, #tpu.memory_space<vmem>>, vector<1x16xf32>,
        %get3A_246 = arith.index_cast %scan3A_199 : i32 to index
        %get3A_247 = arith.constant 64 : index
        %get3A_248 = tpu.vector_load %arg5[%get3A_246, %get3A_247] {strides = array<i32>} : memref<96x224xf32, #tpu.memory_space<vmem>>, vector<1x16xf32>,
        %get3A_249 = vector.shape_cast %get3A_248 : vector<1x16xf32> to vector<16xf32>
        %max3A_250 = arith.constant 0.000000e+00 : f32
        %max3A_251 = vector.broadcast %max3A_250 : f32 to vector<16xf32>
        %max3A_252 = arith.maximumf %get3A_249, %max3A_251 : vector<16xf32>
        %swap3A_253 = arith.index_cast %scan3A_199 : i32 to index
        %swap3A_254 = arith.constant 64 : index
        %swap3A_255 = tpu.vector_load %arg7[%swap3A_253, %swap3A_254] {strides = array<i32>} : memref<96x224xf32, #tpu.memory_space<vmem>>, vector<1x16xf32>,
        %swap3A_256 = vector.shape_cast %swap3A_255 : vector<1x16xf32> to vector<16xf32>
        %swap3A_257 = vector.shape_cast %max3A_252 : vector<16xf32> to vector<1x16xf32>
        tpu.vector_store %arg7[%swap3A_253, %swap3A_254], %swap3A_257 {strides = array<i32>} : memref<96x224xf32, #tpu.memory_space<vmem>>, vector<1x16xf32>,
        %get3A_258 = arith.index_cast %scan3A_199 : i32 to index
        %get3A_259 = arith.constant 80 : index
        %get3A_260 = tpu.vector_load %arg5[%get3A_258, %get3A_259] {strides = array<i32>} : memref<96x224xf32, #tpu.memory_space<vmem>>, vector<1x16xf32>,
        %get3A_261 = vector.shape_cast %get3A_260 : vector<1x16xf32> to vector<16xf32>
        %max3A_262 = arith.constant 0.000000e+00 : f32
        %max3A_263 = vector.broadcast %max3A_262 : f32 to vector<16xf32>
        %max3A_264 = arith.maximumf %get3A_261, %max3A_263 : vector<16xf32>
        %swap3A_265 = arith.index_cast %scan3A_199 : i32 to index
        %swap3A_266 = arith.constant 80 : index
        %swap3A_267 = tpu.vector_load %arg7[%swap3A_265, %swap3A_266] {strides = array<i32>} : memref<96x224xf32, #tpu.memory_space<vmem>>, vector<1x16xf32>,
        %swap3A_268 = vector.shape_cast %swap3A_267 : vector<1x16xf32> to vector<16xf32>
        %swap3A_269 = vector.shape_cast %max3A_264 : vector<16xf32> to vector<1x16xf32>
        tpu.vector_store %arg7[%swap3A_265, %swap3A_266], %swap3A_269 {strides = array<i32>} : memref<96x224xf32, #tpu.memory_space<vmem>>, vector<1x16xf32>,
        %get3A_270 = arith.index_cast %scan3A_199 : i32 to index
        %get3A_271 = arith.constant 96 : index
        %get3A_272 = tpu.vector_load %arg5[%get3A_270, %get3A_271] {strides = array<i32>} : memref<96x224xf32, #tpu.memory_space<vmem>>, vector<1x16xf32>,
        %get3A_273 = vector.shape_cast %get3A_272 : vector<1x16xf32> to vector<16xf32>
        %max3A_274 = arith.constant 0.000000e+00 : f32
        %max3A_275 = vector.broadcast %max3A_274 : f32 to vector<16xf32>
        %max3A_276 = arith.maximumf %get3A_273, %max3A_275 : vector<16xf32>
        %swap3A_277 = arith.index_cast %scan3A_199 : i32 to index
        %swap3A_278 = arith.constant 96 : index
        %swap3A_279 = tpu.vector_load %arg7[%swap3A_277, %swap3A_278] {strides = array<i32>} : memref<96x224xf32, #tpu.memory_space<vmem>>, vector<1x16xf32>,
        %swap3A_280 = vector.shape_cast %swap3A_279 : vector<1x16xf32> to vector<16xf32>
        %swap3A_281 = vector.shape_cast %max3A_276 : vector<16xf32> to vector<1x16xf32>
        tpu.vector_store %arg7[%swap3A_277, %swap3A_278], %swap3A_281 {strides = array<i32>} : memref<96x224xf32, #tpu.memory_space<vmem>>, vector<1x16xf32>,
        %get3A_282 = arith.index_cast %scan3A_199 : i32 to index
        %get3A_283 = arith.constant 112 : index
        %get3A_284 = tpu.vector_load %arg5[%get3A_282, %get3A_283] {strides = array<i32>} : memref<96x224xf32, #tpu.memory_space<vmem>>, vector<1x16xf32>,
        %get3A_285 = vector.shape_cast %get3A_284 : vector<1x16xf32> to vector<16xf32>
        %max3A_286 = arith.constant 0.000000e+00 : f32
        %max3A_287 = vector.broadcast %max3A_286 : f32 to vector<16xf32>
        %max3A_288 = arith.maximumf %get3A_285, %max3A_287 : vector<16xf32>
        %swap3A_289 = arith.index_cast %scan3A_199 : i32 to index
        %swap3A_290 = arith.constant 112 : index
        %swap3A_291 = tpu.vector_load %arg7[%swap3A_289, %swap3A_290] {strides = array<i32>} : memref<96x224xf32, #tpu.memory_space<vmem>>, vector<1x16xf32>,
        %swap3A_292 = vector.shape_cast %swap3A_291 : vector<1x16xf32> to vector<16xf32>
        %swap3A_293 = vector.shape_cast %max3A_288 : vector<16xf32> to vector<1x16xf32>
        tpu.vector_store %arg7[%swap3A_289, %swap3A_290], %swap3A_293 {strides = array<i32>} : memref<96x224xf32, #tpu.memory_space<vmem>>, vector<1x16xf32>,
        %get3A_294 = arith.index_cast %scan3A_199 : i32 to index
        %get3A_295 = arith.constant 128 : index
        %get3A_296 = tpu.vector_load %arg5[%get3A_294, %get3A_295] {strides = array<i32>} : memref<96x224xf32, #tpu.memory_space<vmem>>, vector<1x16xf32>,
        %get3A_297 = vector.shape_cast %get3A_296 : vector<1x16xf32> to vector<16xf32>
        %max3A_298 = arith.constant 0.000000e+00 : f32
        %max3A_299 = vector.broadcast %max3A_298 : f32 to vector<16xf32>
        %max3A_300 = arith.maximumf %get3A_297, %max3A_299 : vector<16xf32>
        %swap3A_301 = arith.index_cast %scan3A_199 : i32 to index
        %swap3A_302 = arith.constant 128 : index
        %swap3A_303 = tpu.vector_load %arg7[%swap3A_301, %swap3A_302] {strides = array<i32>} : memref<96x224xf32, #tpu.memory_space<vmem>>, vector<1x16xf32>,
        %swap3A_304 = vector.shape_cast %swap3A_303 : vector<1x16xf32> to vector<16xf32>
        %swap3A_305 = vector.shape_cast %max3A_300 : vector<16xf32> to vector<1x16xf32>
        tpu.vector_store %arg7[%swap3A_301, %swap3A_302], %swap3A_305 {strides = array<i32>} : memref<96x224xf32, #tpu.memory_space<vmem>>, vector<1x16xf32>,
        %get3A_306 = arith.index_cast %scan3A_199 : i32 to index
        %get3A_307 = arith.constant 144 : index
        %get3A_308 = tpu.vector_load %arg5[%get3A_306, %get3A_307] {strides = array<i32>} : memref<96x224xf32, #tpu.memory_space<vmem>>, vector<1x16xf32>,
        %get3A_309 = vector.shape_cast %get3A_308 : vector<1x16xf32> to vector<16xf32>
        %max3A_310 = arith.constant 0.000000e+00 : f32
        %max3A_311 = vector.broadcast %max3A_310 : f32 to vector<16xf32>
        %max3A_312 = arith.maximumf %get3A_309, %max3A_311 : vector<16xf32>
        %swap3A_313 = arith.index_cast %scan3A_199 : i32 to index
        %swap3A_314 = arith.constant 144 : index
        %swap3A_315 = tpu.vector_load %arg7[%swap3A_313, %swap3A_314] {strides = array<i32>} : memref<96x224xf32, #tpu.memory_space<vmem>>, vector<1x16xf32>,
        %swap3A_316 = vector.shape_cast %swap3A_315 : vector<1x16xf32> to vector<16xf32>
        %swap3A_317 = vector.shape_cast %max3A_312 : vector<16xf32> to vector<1x16xf32>
        tpu.vector_store %arg7[%swap3A_313, %swap3A_314], %swap3A_317 {strides = array<i32>} : memref<96x224xf32, #tpu.memory_space<vmem>>, vector<1x16xf32>,
        %get3A_318 = arith.index_cast %scan3A_199 : i32 to index
        %get3A_319 = arith.constant 160 : index
        %get3A_320 = tpu.vector_load %arg5[%get3A_318, %get3A_319] {strides = array<i32>} : memref<96x224xf32, #tpu.memory_space<vmem>>, vector<1x16xf32>,
        %get3A_321 = vector.shape_cast %get3A_320 : vector<1x16xf32> to vector<16xf32>
        %max3A_322 = arith.constant 0.000000e+00 : f32
        %max3A_323 = vector.broadcast %max3A_322 : f32 to vector<16xf32>
        %max3A_324 = arith.maximumf %get3A_321, %max3A_323 : vector<16xf32>
        %swap3A_325 = arith.index_cast %scan3A_199 : i32 to index
        %swap3A_326 = arith.constant 160 : index
        %swap3A_327 = tpu.vector_load %arg7[%swap3A_325, %swap3A_326] {strides = array<i32>} : memref<96x224xf32, #tpu.memory_space<vmem>>, vector<1x16xf32>,
        %swap3A_328 = vector.shape_cast %swap3A_327 : vector<1x16xf32> to vector<16xf32>
        %swap3A_329 = vector.shape_cast %max3A_324 : vector<16xf32> to vector<1x16xf32>
        tpu.vector_store %arg7[%swap3A_325, %swap3A_326], %swap3A_329 {strides = array<i32>} : memref<96x224xf32, #tpu.memory_space<vmem>>, vector<1x16xf32>,
        %get3A_330 = arith.index_cast %scan3A_199 : i32 to index
        %get3A_331 = arith.constant 176 : index
        %get3A_332 = tpu.vector_load %arg5[%get3A_330, %get3A_331] {strides = array<i32>} : memref<96x224xf32, #tpu.memory_space<vmem>>, vector<1x16xf32>,
        %get3A_333 = vector.shape_cast %get3A_332 : vector<1x16xf32> to vector<16xf32>
        %max3A_334 = arith.constant 0.000000e+00 : f32
        %max3A_335 = vector.broadcast %max3A_334 : f32 to vector<16xf32>
        %max3A_336 = arith.maximumf %get3A_333, %max3A_335 : vector<16xf32>
        %swap3A_337 = arith.index_cast %scan3A_199 : i32 to index
        %swap3A_338 = arith.constant 176 : index
        %swap3A_339 = tpu.vector_load %arg7[%swap3A_337, %swap3A_338] {strides = array<i32>} : memref<96x224xf32, #tpu.memory_space<vmem>>, vector<1x16xf32>,
        %swap3A_340 = vector.shape_cast %swap3A_339 : vector<1x16xf32> to vector<16xf32>
        %swap3A_341 = vector.shape_cast %max3A_336 : vector<16xf32> to vector<1x16xf32>
        tpu.vector_store %arg7[%swap3A_337, %swap3A_338], %swap3A_341 {strides = array<i32>} : memref<96x224xf32, #tpu.memory_space<vmem>>, vector<1x16xf32>,
        %get3A_342 = arith.index_cast %scan3A_199 : i32 to index
        %get3A_343 = arith.constant 192 : index
        %get3A_344 = tpu.vector_load %arg5[%get3A_342, %get3A_343] {strides = array<i32>} : memref<96x224xf32, #tpu.memory_space<vmem>>, vector<1x16xf32>,
        %get3A_345 = vector.shape_cast %get3A_344 : vector<1x16xf32> to vector<16xf32>
        %max3A_346 = arith.constant 0.000000e+00 : f32
        %max3A_347 = vector.broadcast %max3A_346 : f32 to vector<16xf32>
        %max3A_348 = arith.maximumf %get3A_345, %max3A_347 : vector<16xf32>
        %swap3A_349 = arith.index_cast %scan3A_199 : i32 to index
        %swap3A_350 = arith.constant 192 : index
        %swap3A_351 = tpu.vector_load %arg7[%swap3A_349, %swap3A_350] {strides = array<i32>} : memref<96x224xf32, #tpu.memory_space<vmem>>, vector<1x16xf32>,
        %swap3A_352 = vector.shape_cast %swap3A_351 : vector<1x16xf32> to vector<16xf32>
        %swap3A_353 = vector.shape_cast %max3A_348 : vector<16xf32> to vector<1x16xf32>
        tpu.vector_store %arg7[%swap3A_349, %swap3A_350], %swap3A_353 {strides = array<i32>} : memref<96x224xf32, #tpu.memory_space<vmem>>, vector<1x16xf32>,
        %get3A_354 = arith.index_cast %scan3A_199 : i32 to index
        %get3A_355 = arith.constant 208 : index
        %get3A_356 = tpu.vector_load %arg5[%get3A_354, %get3A_355] {strides = array<i32>} : memref<96x224xf32, #tpu.memory_space<vmem>>, vector<1x16xf32>,
        %get3A_357 = vector.shape_cast %get3A_356 : vector<1x16xf32> to vector<16xf32>
        %max3A_358 = arith.constant 0.000000e+00 : f32
        %max3A_359 = vector.broadcast %max3A_358 : f32 to vector<16xf32>
        %max3A_360 = arith.maximumf %get3A_357, %max3A_359 : vector<16xf32>
        %swap3A_361 = arith.index_cast %scan3A_199 : i32 to index
        %swap3A_362 = arith.constant 208 : index
        %swap3A_363 = tpu.vector_load %arg7[%swap3A_361, %swap3A_362] {strides = array<i32>} : memref<96x224xf32, #tpu.memory_space<vmem>>, vector<1x16xf32>,
        %swap3A_364 = vector.shape_cast %swap3A_363 : vector<1x16xf32> to vector<16xf32>
        %swap3A_365 = vector.shape_cast %max3A_360 : vector<16xf32> to vector<1x16xf32>
        tpu.vector_store %arg7[%swap3A_361, %swap3A_362], %swap3A_365 {strides = array<i32>} : memref<96x224xf32, #tpu.memory_space<vmem>>, vector<1x16xf32>,
        %scan3A_366 = arith.constant 0 : i32
        %scan3A_367 = arith.constant 1 : i32
        %scan3A_368 = arith.addi %scan3A_199, %scan3A_367 : i32
        %get3A_369 = arith.index_cast %scan3A_368 : i32 to index
        %get3A_370 = arith.constant 0 : index
        %get3A_371 = tpu.vector_load %arg5[%get3A_369, %get3A_370] {strides = array<i32>} : memref<96x224xf32, #tpu.memory_space<vmem>>, vector<1x16xf32>,
        %get3A_372 = vector.shape_cast %get3A_371 : vector<1x16xf32> to vector<16xf32>
        %max3A_373 = arith.constant 0.000000e+00 : f32
        %max3A_374 = vector.broadcast %max3A_373 : f32 to vector<16xf32>
        %max3A_375 = arith.maximumf %get3A_372, %max3A_374 : vector<16xf32>
        %swap3A_376 = arith.index_cast %scan3A_368 : i32 to index
        %swap3A_377 = arith.constant 0 : index
        %swap3A_378 = tpu.vector_load %arg7[%swap3A_376, %swap3A_377] {strides = array<i32>} : memref<96x224xf32, #tpu.memory_space<vmem>>, vector<1x16xf32>,
        %swap3A_379 = vector.shape_cast %swap3A_378 : vector<1x16xf32> to vector<16xf32>
        %swap3A_380 = vector.shape_cast %max3A_375 : vector<16xf32> to vector<1x16xf32>
        tpu.vector_store %arg7[%swap3A_376, %swap3A_377], %swap3A_380 {strides = array<i32>} : memref<96x224xf32, #tpu.memory_space<vmem>>, vector<1x16xf32>,
        %get3A_381 = arith.index_cast %scan3A_368 : i32 to index
        %get3A_382 = arith.constant 16 : index
        %get3A_383 = tpu.vector_load %arg5[%get3A_381, %get3A_382] {strides = array<i32>} : memref<96x224xf32, #tpu.memory_space<vmem>>, vector<1x16xf32>,
        %get3A_384 = vector.shape_cast %get3A_383 : vector<1x16xf32> to vector<16xf32>
        %max3A_385 = arith.constant 0.000000e+00 : f32
        %max3A_386 = vector.broadcast %max3A_385 : f32 to vector<16xf32>
        %max3A_387 = arith.maximumf %get3A_384, %max3A_386 : vector<16xf32>
        %swap3A_388 = arith.index_cast %scan3A_368 : i32 to index
        %swap3A_389 = arith.constant 16 : index
        %swap3A_390 = tpu.vector_load %arg7[%swap3A_388, %swap3A_389] {strides = array<i32>} : memref<96x224xf32, #tpu.memory_space<vmem>>, vector<1x16xf32>,
        %swap3A_391 = vector.shape_cast %swap3A_390 : vector<1x16xf32> to vector<16xf32>
        %swap3A_392 = vector.shape_cast %max3A_387 : vector<16xf32> to vector<1x16xf32>
        tpu.vector_store %arg7[%swap3A_388, %swap3A_389], %swap3A_392 {strides = array<i32>} : memref<96x224xf32, #tpu.memory_space<vmem>>, vector<1x16xf32>,
        %get3A_393 = arith.index_cast %scan3A_368 : i32 to index
        %get3A_394 = arith.constant 32 : index
        %get3A_395 = tpu.vector_load %arg5[%get3A_393, %get3A_394] {strides = array<i32>} : memref<96x224xf32, #tpu.memory_space<vmem>>, vector<1x16xf32>,
        %get3A_396 = vector.shape_cast %get3A_395 : vector<1x16xf32> to vector<16xf32>
        %max3A_397 = arith.constant 0.000000e+00 : f32
        %max3A_398 = vector.broadcast %max3A_397 : f32 to vector<16xf32>
        %max3A_399 = arith.maximumf %get3A_396, %max3A_398 : vector<16xf32>
        %swap3A_400 = arith.index_cast %scan3A_368 : i32 to index
        %swap3A_401 = arith.constant 32 : index
        %swap3A_402 = tpu.vector_load %arg7[%swap3A_400, %swap3A_401] {strides = array<i32>} : memref<96x224xf32, #tpu.memory_space<vmem>>, vector<1x16xf32>,
        %swap3A_403 = vector.shape_cast %swap3A_402 : vector<1x16xf32> to vector<16xf32>
        %swap3A_404 = vector.shape_cast %max3A_399 : vector<16xf32> to vector<1x16xf32>
        tpu.vector_store %arg7[%swap3A_400, %swap3A_401], %swap3A_404 {strides = array<i32>} : memref<96x224xf32, #tpu.memory_space<vmem>>, vector<1x16xf32>,
        %get3A_405 = arith.index_cast %scan3A_368 : i32 to index
        %get3A_406 = arith.constant 48 : index
        %get3A_407 = tpu.vector_load %arg5[%get3A_405, %get3A_406] {strides = array<i32>} : memref<96x224xf32, #tpu.memory_space<vmem>>, vector<1x16xf32>,
        %get3A_408 = vector.shape_cast %get3A_407 : vector<1x16xf32> to vector<16xf32>
        %max3A_409 = arith.constant 0.000000e+00 : f32
        %max3A_410 = vector.broadcast %max3A_409 : f32 to vector<16xf32>
        %max3A_411 = arith.maximumf %get3A_408, %max3A_410 : vector<16xf32>
        %swap3A_412 = arith.index_cast %scan3A_368 : i32 to index
        %swap3A_413 = arith.constant 48 : index
        %swap3A_414 = tpu.vector_load %arg7[%swap3A_412, %swap3A_413] {strides = array<i32>} : memref<96x224xf32, #tpu.memory_space<vmem>>, vector<1x16xf32>,
        %swap3A_415 = vector.shape_cast %swap3A_414 : vector<1x16xf32> to vector<16xf32>
        %swap3A_416 = vector.shape_cast %max3A_411 : vector<16xf32> to vector<1x16xf32>
        tpu.vector_store %arg7[%swap3A_412, %swap3A_413], %swap3A_416 {strides = array<i32>} : memref<96x224xf32, #tpu.memory_space<vmem>>, vector<1x16xf32>,
        %get3A_417 = arith.index_cast %scan3A_368 : i32 to index
        %get3A_418 = arith.constant 64 : index
        %get3A_419 = tpu.vector_load %arg5[%get3A_417, %get3A_418] {strides = array<i32>} : memref<96x224xf32, #tpu.memory_space<vmem>>, vector<1x16xf32>,
        %get3A_420 = vector.shape_cast %get3A_419 : vector<1x16xf32> to vector<16xf32>
        %max3A_421 = arith.constant 0.000000e+00 : f32
        %max3A_422 = vector.broadcast %max3A_421 : f32 to vector<16xf32>
        %max3A_423 = arith.maximumf %get3A_420, %max3A_422 : vector<16xf32>
        %swap3A_424 = arith.index_cast %scan3A_368 : i32 to index
        %swap3A_425 = arith.constant 64 : index
        %swap3A_426 = tpu.vector_load %arg7[%swap3A_424, %swap3A_425] {strides = array<i32>} : memref<96x224xf32, #tpu.memory_space<vmem>>, vector<1x16xf32>,
        %swap3A_427 = vector.shape_cast %swap3A_426 : vector<1x16xf32> to vector<16xf32>
        %swap3A_428 = vector.shape_cast %max3A_423 : vector<16xf32> to vector<1x16xf32>
        tpu.vector_store %arg7[%swap3A_424, %swap3A_425], %swap3A_428 {strides = array<i32>} : memref<96x224xf32, #tpu.memory_space<vmem>>, vector<1x16xf32>,
        %get3A_429 = arith.index_cast %scan3A_368 : i32 to index
        %get3A_430 = arith.constant 80 : index
        %get3A_431 = tpu.vector_load %arg5[%get3A_429, %get3A_430] {strides = array<i32>} : memref<96x224xf32, #tpu.memory_space<vmem>>, vector<1x16xf32>,
        %get3A_432 = vector.shape_cast %get3A_431 : vector<1x16xf32> to vector<16xf32>
        %max3A_433 = arith.constant 0.000000e+00 : f32
        %max3A_434 = vector.broadcast %max3A_433 : f32 to vector<16xf32>
        %max3A_435 = arith.maximumf %get3A_432, %max3A_434 : vector<16xf32>
        %swap3A_436 = arith.index_cast %scan3A_368 : i32 to index
        %swap3A_437 = arith.constant 80 : index
        %swap3A_438 = tpu.vector_load %arg7[%swap3A_436, %swap3A_437] {strides = array<i32>} : memref<96x224xf32, #tpu.memory_space<vmem>>, vector<1x16xf32>,
        %swap3A_439 = vector.shape_cast %swap3A_438 : vector<1x16xf32> to vector<16xf32>
        %swap3A_440 = vector.shape_cast %max3A_435 : vector<16xf32> to vector<1x16xf32>
        tpu.vector_store %arg7[%swap3A_436, %swap3A_437], %swap3A_440 {strides = array<i32>} : memref<96x224xf32, #tpu.memory_space<vmem>>, vector<1x16xf32>,
        %get3A_441 = arith.index_cast %scan3A_368 : i32 to index
        %get3A_442 = arith.constant 96 : index
        %get3A_443 = tpu.vector_load %arg5[%get3A_441, %get3A_442] {strides = array<i32>} : memref<96x224xf32, #tpu.memory_space<vmem>>, vector<1x16xf32>,
        %get3A_444 = vector.shape_cast %get3A_443 : vector<1x16xf32> to vector<16xf32>
        %max3A_445 = arith.constant 0.000000e+00 : f32
        %max3A_446 = vector.broadcast %max3A_445 : f32 to vector<16xf32>
        %max3A_447 = arith.maximumf %get3A_444, %max3A_446 : vector<16xf32>
        %swap3A_448 = arith.index_cast %scan3A_368 : i32 to index
        %swap3A_449 = arith.constant 96 : index
        %swap3A_450 = tpu.vector_load %arg7[%swap3A_448, %swap3A_449] {strides = array<i32>} : memref<96x224xf32, #tpu.memory_space<vmem>>, vector<1x16xf32>,
        %swap3A_451 = vector.shape_cast %swap3A_450 : vector<1x16xf32> to vector<16xf32>
        %swap3A_452 = vector.shape_cast %max3A_447 : vector<16xf32> to vector<1x16xf32>
        tpu.vector_store %arg7[%swap3A_448, %swap3A_449], %swap3A_452 {strides = array<i32>} : memref<96x224xf32, #tpu.memory_space<vmem>>, vector<1x16xf32>,
        %get3A_453 = arith.index_cast %scan3A_368 : i32 to index
        %get3A_454 = arith.constant 112 : index
        %get3A_455 = tpu.vector_load %arg5[%get3A_453, %get3A_454] {strides = array<i32>} : memref<96x224xf32, #tpu.memory_space<vmem>>, vector<1x16xf32>,
        %get3A_456 = vector.shape_cast %get3A_455 : vector<1x16xf32> to vector<16xf32>
        %max3A_457 = arith.constant 0.000000e+00 : f32
        %max3A_458 = vector.broadcast %max3A_457 : f32 to vector<16xf32>
        %max3A_459 = arith.maximumf %get3A_456, %max3A_458 : vector<16xf32>
        %swap3A_460 = arith.index_cast %scan3A_368 : i32 to index
        %swap3A_461 = arith.constant 112 : index
        %swap3A_462 = tpu.vector_load %arg7[%swap3A_460, %swap3A_461] {strides = array<i32>} : memref<96x224xf32, #tpu.memory_space<vmem>>, vector<1x16xf32>,
        %swap3A_463 = vector.shape_cast %swap3A_462 : vector<1x16xf32> to vector<16xf32>
        %swap3A_464 = vector.shape_cast %max3A_459 : vector<16xf32> to vector<1x16xf32>
        tpu.vector_store %arg7[%swap3A_460, %swap3A_461], %swap3A_464 {strides = array<i32>} : memref<96x224xf32, #tpu.memory_space<vmem>>, vector<1x16xf32>,
        %get3A_465 = arith.index_cast %scan3A_368 : i32 to index
        %get3A_466 = arith.constant 128 : index
        %get3A_467 = tpu.vector_load %arg5[%get3A_465, %get3A_466] {strides = array<i32>} : memref<96x224xf32, #tpu.memory_space<vmem>>, vector<1x16xf32>,
        %get3A_468 = vector.shape_cast %get3A_467 : vector<1x16xf32> to vector<16xf32>
        %max3A_469 = arith.constant 0.000000e+00 : f32
        %max3A_470 = vector.broadcast %max3A_469 : f32 to vector<16xf32>
        %max3A_471 = arith.maximumf %get3A_468, %max3A_470 : vector<16xf32>
        %swap3A_472 = arith.index_cast %scan3A_368 : i32 to index
        %swap3A_473 = arith.constant 128 : index
        %swap3A_474 = tpu.vector_load %arg7[%swap3A_472, %swap3A_473] {strides = array<i32>} : memref<96x224xf32, #tpu.memory_space<vmem>>, vector<1x16xf32>,
        %swap3A_475 = vector.shape_cast %swap3A_474 : vector<1x16xf32> to vector<16xf32>
        %swap3A_476 = vector.shape_cast %max3A_471 : vector<16xf32> to vector<1x16xf32>
        tpu.vector_store %arg7[%swap3A_472, %swap3A_473], %swap3A_476 {strides = array<i32>} : memref<96x224xf32, #tpu.memory_space<vmem>>, vector<1x16xf32>,
        %get3A_477 = arith.index_cast %scan3A_368 : i32 to index
        %get3A_478 = arith.constant 144 : index
        %get3A_479 = tpu.vector_load %arg5[%get3A_477, %get3A_478] {strides = array<i32>} : memref<96x224xf32, #tpu.memory_space<vmem>>, vector<1x16xf32>,
        %get3A_480 = vector.shape_cast %get3A_479 : vector<1x16xf32> to vector<16xf32>
        %max3A_481 = arith.constant 0.000000e+00 : f32
        %max3A_482 = vector.broadcast %max3A_481 : f32 to vector<16xf32>
        %max3A_483 = arith.maximumf %get3A_480, %max3A_482 : vector<16xf32>
        %swap3A_484 = arith.index_cast %scan3A_368 : i32 to index
        %swap3A_485 = arith.constant 144 : index
        %swap3A_486 = tpu.vector_load %arg7[%swap3A_484, %swap3A_485] {strides = array<i32>} : memref<96x224xf32, #tpu.memory_space<vmem>>, vector<1x16xf32>,
        %swap3A_487 = vector.shape_cast %swap3A_486 : vector<1x16xf32> to vector<16xf32>
        %swap3A_488 = vector.shape_cast %max3A_483 : vector<16xf32> to vector<1x16xf32>
        tpu.vector_store %arg7[%swap3A_484, %swap3A_485], %swap3A_488 {strides = array<i32>} : memref<96x224xf32, #tpu.memory_space<vmem>>, vector<1x16xf32>,
        %get3A_489 = arith.index_cast %scan3A_368 : i32 to index
        %get3A_490 = arith.constant 160 : index
        %get3A_491 = tpu.vector_load %arg5[%get3A_489, %get3A_490] {strides = array<i32>} : memref<96x224xf32, #tpu.memory_space<vmem>>, vector<1x16xf32>,
        %get3A_492 = vector.shape_cast %get3A_491 : vector<1x16xf32> to vector<16xf32>
        %max3A_493 = arith.constant 0.000000e+00 : f32
        %max3A_494 = vector.broadcast %max3A_493 : f32 to vector<16xf32>
        %max3A_495 = arith.maximumf %get3A_492, %max3A_494 : vector<16xf32>
        %swap3A_496 = arith.index_cast %scan3A_368 : i32 to index
        %swap3A_497 = arith.constant 160 : index
        %swap3A_498 = tpu.vector_load %arg7[%swap3A_496, %swap3A_497] {strides = array<i32>} : memref<96x224xf32, #tpu.memory_space<vmem>>, vector<1x16xf32>,
        %swap3A_499 = vector.shape_cast %swap3A_498 : vector<1x16xf32> to vector<16xf32>
        %swap3A_500 = vector.shape_cast %max3A_495 : vector<16xf32> to vector<1x16xf32>
        tpu.vector_store %arg7[%swap3A_496, %swap3A_497], %swap3A_500 {strides = array<i32>} : memref<96x224xf32, #tpu.memory_space<vmem>>, vector<1x16xf32>,
        %get3A_501 = arith.index_cast %scan3A_368 : i32 to index
        %get3A_502 = arith.constant 176 : index
        %get3A_503 = tpu.vector_load %arg5[%get3A_501, %get3A_502] {strides = array<i32>} : memref<96x224xf32, #tpu.memory_space<vmem>>, vector<1x16xf32>,
        %get3A_504 = vector.shape_cast %get3A_503 : vector<1x16xf32> to vector<16xf32>
        %max3A_505 = arith.constant 0.000000e+00 : f32
        %max3A_506 = vector.broadcast %max3A_505 : f32 to vector<16xf32>
        %max3A_507 = arith.maximumf %get3A_504, %max3A_506 : vector<16xf32>
        %swap3A_508 = arith.index_cast %scan3A_368 : i32 to index
        %swap3A_509 = arith.constant 176 : index
        %swap3A_510 = tpu.vector_load %arg7[%swap3A_508, %swap3A_509] {strides = array<i32>} : memref<96x224xf32, #tpu.memory_space<vmem>>, vector<1x16xf32>,
        %swap3A_511 = vector.shape_cast %swap3A_510 : vector<1x16xf32> to vector<16xf32>
        %swap3A_512 = vector.shape_cast %max3A_507 : vector<16xf32> to vector<1x16xf32>
        tpu.vector_store %arg7[%swap3A_508, %swap3A_509], %swap3A_512 {strides = array<i32>} : memref<96x224xf32, #tpu.memory_space<vmem>>, vector<1x16xf32>,
        %get3A_513 = arith.index_cast %scan3A_368 : i32 to index
        %get3A_514 = arith.constant 192 : index
        %get3A_515 = tpu.vector_load %arg5[%get3A_513, %get3A_514] {strides = array<i32>} : memref<96x224xf32, #tpu.memory_space<vmem>>, vector<1x16xf32>,
        %get3A_516 = vector.shape_cast %get3A_515 : vector<1x16xf32> to vector<16xf32>
        %max3A_517 = arith.constant 0.000000e+00 : f32
        %max3A_518 = vector.broadcast %max3A_517 : f32 to vector<16xf32>
        %max3A_519 = arith.maximumf %get3A_516, %max3A_518 : vector<16xf32>
        %swap3A_520 = arith.index_cast %scan3A_368 : i32 to index
        %swap3A_521 = arith.constant 192 : index
        %swap3A_522 = tpu.vector_load %arg7[%swap3A_520, %swap3A_521] {strides = array<i32>} : memref<96x224xf32, #tpu.memory_space<vmem>>, vector<1x16xf32>,
        %swap3A_523 = vector.shape_cast %swap3A_522 : vector<1x16xf32> to vector<16xf32>
        %swap3A_524 = vector.shape_cast %max3A_519 : vector<16xf32> to vector<1x16xf32>
        tpu.vector_store %arg7[%swap3A_520, %swap3A_521], %swap3A_524 {strides = array<i32>} : memref<96x224xf32, #tpu.memory_space<vmem>>, vector<1x16xf32>,
        %get3A_525 = arith.index_cast %scan3A_368 : i32 to index
        %get3A_526 = arith.constant 208 : index
        %get3A_527 = tpu.vector_load %arg5[%get3A_525, %get3A_526] {strides = array<i32>} : memref<96x224xf32, #tpu.memory_space<vmem>>, vector<1x16xf32>,
        %get3A_528 = vector.shape_cast %get3A_527 : vector<1x16xf32> to vector<16xf32>
        %max3A_529 = arith.constant 0.000000e+00 : f32
        %max3A_530 = vector.broadcast %max3A_529 : f32 to vector<16xf32>
        %max3A_531 = arith.maximumf %get3A_528, %max3A_530 : vector<16xf32>
        %swap3A_532 = arith.index_cast %scan3A_368 : i32 to index
        %swap3A_533 = arith.constant 208 : index
        %swap3A_534 = tpu.vector_load %arg7[%swap3A_532, %swap3A_533] {strides = array<i32>} : memref<96x224xf32, #tpu.memory_space<vmem>>, vector<1x16xf32>,
        %swap3A_535 = vector.shape_cast %swap3A_534 : vector<1x16xf32> to vector<16xf32>
        %swap3A_536 = vector.shape_cast %max3A_531 : vector<16xf32> to vector<1x16xf32>
        tpu.vector_store %arg7[%swap3A_532, %swap3A_533], %swap3A_536 {strides = array<i32>} : memref<96x224xf32, #tpu.memory_space<vmem>>, vector<1x16xf32>,
        %scan3A_537 = arith.constant 0 : i32
        scf.yield %scan3A_537 : i32
      }
      %scan3A_181 = arith.constant 96 : i32
      %add3A_182 = arith.addi %mul3A_72, %add3A_160 : i32
      %dma_start3A_183 = arith.constant 0 : i32
      %dma_start3A_184 = arith.constant 0 : i32
      %dma_start3A_185 = tpu.memref_slice %arg3[%select_n3A, %select_n3A_54, %add3A_182, %dma_start3A_183, %dma_start3A_184] : memref<4x2x224x96x224xf32, #tpu.memory_space<hbm>> -> memref<1x1x1x96x224xf32, #tpu.memory_space<hbm>>
      %dma_start3A_186 = tpu.memref_squeeze %dma_start3A_185 : memref<1x1x1x96x224xf32, #tpu.memory_space<hbm>> -> memref<96x224xf32, #tpu.memory_space<hbm>>
      %dma_start3A_187 = arith.constant 0 : i32
      %dma_start3A_188 = arith.constant 0 : i32
      %dma_start3A_189 = tpu.memref_slice %arg3[%select_n3A, %select_n3A_54, %add3A_182, %dma_start3A_187, %dma_start3A_188] : memref<4x2x224x96x224xf32, #tpu.memory_space<hbm>> -> memref<1x1x1x96x224xf32, #tpu.memory_space<hbm>>
      %dma_start3A_190 = tpu.memref_squeeze %dma_start3A_189 : memref<1x1x1x96x224xf32, #tpu.memory_space<hbm>> -> memref<96x224xf32, #tpu.memory_space<hbm>>
      tpu.enqueue_dma source(%arg7 : memref<96x224xf32, #tpu.memory_space<vmem>>) target(%dma_start3A_190 : memref<96x224xf32, #tpu.memory_space<hbm>>) target_semaphore(%arg11 : memref<!tpu.dma_semaphore, #tpu.memory_space<semaphore_mem>>)
      %add3A_191 = arith.constant 2 : i32
      %add3A_192 = arith.addi %add3A_160, %add3A_191 : i32
      %lt3A_193 = arith.constant 56 : i32
      %lt3A_194 = arith.cmpi slt, %add3A_192, %lt3A_193 : i32
      %convert_element_type3A_195 = arith.extui %lt3A_194 : i1 to i32
      %cond3A_196 = arith.constant 0 : i32
      %cond3A_197 = arith.cmpi ne, %convert_element_type3A_195, %cond3A_196 : i32
      scf.if %cond3A_197 {
        %add3A_199 = arith.constant 2 : i32
        %add3A_200 = arith.addi %add3A_160, %add3A_199 : i32
        %add3A_201 = arith.addi %mul3A_72, %add3A_200 : i32
        %dma_start3A_202 = arith.constant 0 : i32
        %dma_start3A_203 = arith.constant 0 : i32
        %dma_start3A_204 = tpu.memref_slice %arg2[%select_n3A, %select_n3A_54, %add3A_201, %dma_start3A_202, %dma_start3A_203] : memref<4x2x224x96x224xf32, #tpu.memory_space<hbm>> -> memref<1x1x1x96x224xf32, #tpu.memory_space<hbm>>
        %dma_start3A_205 = tpu.memref_squeeze %dma_start3A_204 : memref<1x1x1x96x224xf32, #tpu.memory_space<hbm>> -> memref<96x224xf32, #tpu.memory_space<hbm>>
        %dma_start3A_206 = arith.constant 0 : i32
        %dma_start3A_207 = arith.constant 0 : i32
        %dma_start3A_208 = tpu.memref_slice %arg2[%select_n3A, %select_n3A_54, %add3A_201, %dma_start3A_206, %dma_start3A_207] : memref<4x2x224x96x224xf32, #tpu.memory_space<hbm>> -> memref<1x1x1x96x224xf32, #tpu.memory_space<hbm>>
        %dma_start3A_209 = tpu.memref_squeeze %dma_start3A_208 : memref<1x1x1x96x224xf32, #tpu.memory_space<hbm>> -> memref<96x224xf32, #tpu.memory_space<hbm>>
        tpu.enqueue_dma source(%dma_start3A_209 : memref<96x224xf32, #tpu.memory_space<hbm>>) target(%arg5 : memref<96x224xf32, #tpu.memory_space<vmem>>) target_semaphore(%arg9 : memref<!tpu.dma_semaphore, #tpu.memory_space<semaphore_mem>>)
      } else {
      }
      %scan3A_198 = arith.constant 0 : i32
      scf.yield %scan3A_198 : i32
    }
    %scan3A_97 = arith.constant 28 : i32
    %add3A_98 = arith.constant 54 : i32
    %add3A_99 = arith.addi %mul3A_72, %add3A_98 : i32
    %dma_wait3A = arith.constant 0 : i32
    %dma_wait3A_100 = arith.constant 0 : i32
    %dma_wait3A_101 = tpu.memref_slice %arg3[%select_n3A, %select_n3A_54, %add3A_99, %dma_wait3A, %dma_wait3A_100] : memref<4x2x224x96x224xf32, #tpu.memory_space<hbm>> -> memref<1x1x1x96x224xf32, #tpu.memory_space<hbm>>
    %dma_wait3A_102 = tpu.memref_squeeze %dma_wait3A_101 : memref<1x1x1x96x224xf32, #tpu.memory_space<hbm>> -> memref<96x224xf32, #tpu.memory_space<hbm>>
    %dma_wait3A_103 = arith.constant 0 : i32
    %dma_wait3A_104 = arith.constant 0 : i32
    %dma_wait3A_105 = tpu.memref_slice %arg3[%select_n3A, %select_n3A_54, %add3A_99, %dma_wait3A_103, %dma_wait3A_104] : memref<4x2x224x96x224xf32, #tpu.memory_space<hbm>> -> memref<1x1x1x96x224xf32, #tpu.memory_space<hbm>>
    %dma_wait3A_106 = tpu.memref_squeeze %dma_wait3A_105 : memref<1x1x1x96x224xf32, #tpu.memory_space<hbm>> -> memref<96x224xf32, #tpu.memory_space<hbm>>
    tpu.wait_dma2 semaphore(%arg10 : memref<!tpu.dma_semaphore, #tpu.memory_space<semaphore_mem>>) src(%arg6 : memref<96x224xf32, #tpu.memory_space<vmem>>) dst(%dma_wait3A_106 : memref<96x224xf32, #tpu.memory_space<hbm>>)
    %add3A_107 = arith.constant 55 : i32
    %add3A_108 = arith.addi %mul3A_72, %add3A_107 : i32
    %dma_wait3A_109 = arith.constant 0 : i32
    %dma_wait3A_110 = arith.constant 0 : i32
    %dma_wait3A_111 = tpu.memref_slice %arg3[%select_n3A, %select_n3A_54, %add3A_108, %dma_wait3A_109, %dma_wait3A_110] : memref<4x2x224x96x224xf32, #tpu.memory_space<hbm>> -> memref<1x1x1x96x224xf32, #tpu.memory_space<hbm>>
    %dma_wait3A_112 = tpu.memref_squeeze %dma_wait3A_111 : memref<1x1x1x96x224xf32, #tpu.memory_space<hbm>> -> memref<96x224xf32, #tpu.memory_space<hbm>>
    %dma_wait3A_113 = arith.constant 0 : i32
    %dma_wait3A_114 = arith.constant 0 : i32
    %dma_wait3A_115 = tpu.memref_slice %arg3[%select_n3A, %select_n3A_54, %add3A_108, %dma_wait3A_113, %dma_wait3A_114] : memref<4x2x224x96x224xf32, #tpu.memory_space<hbm>> -> memref<1x1x1x96x224xf32, #tpu.memory_space<hbm>>
    %dma_wait3A_116 = tpu.memref_squeeze %dma_wait3A_115 : memref<1x1x1x96x224xf32, #tpu.memory_space<hbm>> -> memref<96x224xf32, #tpu.memory_space<hbm>>
    tpu.wait_dma2 semaphore(%arg11 : memref<!tpu.dma_semaphore, #tpu.memory_space<semaphore_mem>>) src(%arg7 : memref<96x224xf32, #tpu.memory_space<vmem>>) dst(%dma_wait3A_116 : memref<96x224xf32, #tpu.memory_space<hbm>>)
    return
  }
}

</mosaic_0001>

<sc_bundles>
// kernel: kernel.3.cloned.1.call-start
scs
__scs_entry_jumppad:
0x0: {  	(pc) =	sbr.rel $0x88, $3  }
0x1: {  	(tag) =	ssettag $0x0;
	lr =	simm.s32 $0x1  }
0x2: {  	[smem:$0x3FA0] =	sst lr;
	_ =	strace $0xD0000000  }
0x3: {  	_ = 	snop  }
0x4: {  	_ = 	snop  }
0x5: {  	_ = 	snop  }
0x6: {  	_ = 	snop  }
0x7: {  	_ = 	snop  }
__scs_overlays_trampoline_lowered:
0x8: {  	[smem:$0x3FAF] =	sst s0  }
0x9: {  	[smem:$0x3FB0] =	sst s1  }
0xa: {  	[smem:$0x3FB1] =	sst s2  }
0xb: {  	[smem:$0x3FB2] =	sst s3  }
0xc: {  	[smem:$0x3FB3] =	sst s4  }
0xd: {  	[smem:$0x3FB4] =	sst s5  }
0xe: {  	[smem:$0x3FB5] =	sst s6  }
0xf: {  	[smem:$0x3FB6] =	sst s7  }
0x10: {  	[smem:$0x3FB7] =	sst s8  }
0x11: {  	[smem:$0x3FB8] =	sst s9;
	s0 =	simm.s32 @!p0 $0x0  }
0x12: {  	s1 =	sld [smem:$0x3F9E];
	s0 =	simm.s32 @p0 $0x1  }
0x13: {  	[smem:$0x3FB9] =	sst s0;
	s0 =	simm.s32 @!p1 $0x0  }
0x14: {  	s2 =	sld [smem:$0x3F9D];
	s0 =	simm.s32 @p1 $0x1  }
0x15: {  	[smem:$0x3FBA] =	sst s0;
	s0 =	simm.s32 @!p2 $0x0  }
0x16: {  	s3 =	sld [smem:$0x3FDB];
	s0 =	simm.s32 @p2 $0x1  }
0x17: {  	s4 =	simm.s32 $0x1BF5;
	[smem:$0x3FBC] =	sst s0  }
0x18: {  	s0 =	sld [smem:$0x3F9F];
	_ =	swait.ge [sflag:s4], $0x0  }
0x19: {  	s7 =	sld [smem:$0x3FA0]  }
0x1a: {  	s8 =	sadd.s32 $0xFFFFE003, lr  }
0x1b: {  	s9 =	sadd.s32 $0xFFFFFEF7, lr;
	s5 =	simm.s32 $0xFFFFFFFF;
	p2 =	slt.u32 s8, $0xFFFFF086  }
0x1c: {  	p1 =	slt.u32 s9, $0xF7A;
	s5 =	simm.s32 @!p2 $0x0  }
0x1d: {  	s5 =	simm.s32 @p1 $0x1;
	p0 =	seq.s32 s7, s2  }
0x1e: {  	s7 =	smul.u32 @!p0 $0xF7A, s2;
	p2 =	seq.s32 @!p0 s5, $0x0  }
0x1f: {  	s9 =	smul.u32 $0xF7A, s1;
	s8 =	simm.s32 @!p0 $0x1BF5;
	p2 =	por !p2, p0  }
0x20: {  	[sflag:s8] =	ssyncset.s32 @!p0 $0xFFFFF086;
	s6 =	sadd.s32 @!p0 s3, s7;
	s7 =	simm.s32 @!p0 $0x108  }
0x21: {  	s3 =	sadd.s32 s3, s9;
	s6 =	sadd.s32 @!p0 $0x88, s6;
	s7 =	simm.s32 @p2 $0x1082  }
0x22: {  	[simem:s7], [sflag:s8] =	dma.local @!p0 [hbm:s6], $0xF7A  }
0x23: {  	s9 =	sor.u32 $0xD0000000, s2;
	s6 =	simm.s32 $0x108;
	_ =	swait.ge @!p0 [sflag:s8], $0x0  }
0x24: {  	s3 =	sadd.s32 $0x88, s3;
	s6 =	simm.s32 @!p1 $0x1082;
	[sflag:s4] =	ssyncset.s32 $0xFFFFF086  }
0x25: {  	[simem:s6], [sflag:s4] =	dma.local [hbm:s3], $0xF7A  }
0x26: {  	[smem:$0x3FA0] =	sst s1;
	(tag) =	ssettag s2;
	_ =	strace s9  }
0x27: {  	s1 =	sld [smem:$0x3FB0]  }
0x28: {  	s2 =	sld [smem:$0x3FB1]  }
0x29: {  	s4 =	sld [smem:$0x3FB3]  }
0x2a: {  	p0 =	seq.s32 s5, $0x0;
	s5 =	sld [smem:$0x3FB4]  }
0x2b: {  	s6 =	sld [smem:$0x3FB5]  }
0x2c: {  	s7 =	sld [smem:$0x3FB6]  }
0x2d: {  	s3 =	simm.s32 $0x108;
	s8 =	sld [smem:$0x3FB7]  }
0x2e: {  	s3 =	simm.s32 @!p0 $0x1082;
	s9 =	sld [smem:$0x3FB8]  }
0x2f: {  	lr =	sadd.s32 s0, s3;
	s0 =	sld [smem:$0x3FAF]  }
0x30: {  	s3 =	sld [smem:$0x3FB2]  }
0x31: {  	[smem:$0x3FBB] =	sst s10  }
0x32: {  	s10 =	sld [smem:$0x3FB9];
	_ =	sdelay $0x3  }
0x33: {  	p0 =	seq.s32 s10, $0x1;
	s10 =	sld [smem:$0x3FBB];
	_ =	sdelay $0x3  }
0x34: {  	[smem:$0x3FBB] =	sst s10  }
0x35: {  	s10 =	sld [smem:$0x3FBA];
	_ =	sdelay $0x3  }
0x36: {  	p1 =	seq.s32 s10, $0x1;
	s10 =	sld [smem:$0x3FBB];
	_ =	sdelay $0x3  }
0x37: {  	[smem:$0x3FBB] =	sst s10  }
0x38: {  	s10 =	sld [smem:$0x3FBC]  }
0x39: {  	_ = 	snop;
	(pc) =	sbr.ind lr, $3  }
0x3a: {  	_ = 	snop  }
0x3b: {  	_ = 	snop  }
0x3c: {  	p2 =	seq.s32 s10, $0x1;
	s10 =	sld [smem:$0x3FBB]  }
0x3d: {  	_ =	shalt  }
0x3e: {  	_ =	shalt  }
0x3f: {  	_ =	shalt  }
0x40: {  	_ =	shalt  }
0x41: {  	_ =	shalt  }
0x42: {  	_ =	shalt  }
0x43: {  	_ =	shalt  }
0x44: {  	_ =	shalt  }
0x45: {  	_ =	shalt  }
0x46: {  	_ =	shalt  }
0x47: {  	_ =	shalt  }
0x48: {  	_ =	shalt  }
0x49: {  	_ =	shalt  }
0x4a: {  	_ =	shalt  }
0x4b: {  	_ =	shalt  }
0x4c: {  	_ =	shalt  }
0x4d: {  	_ =	shalt  }
0x4e: {  	_ =	shalt  }
0x4f: {  	_ =	shalt  }
0x50: {  	_ =	shalt  }
0x51: {  	_ =	shalt  }
0x52: {  	_ =	shalt  }
0x53: {  	_ =	shalt  }
0x54: {  	_ =	shalt  }
0x55: {  	_ =	shalt  }
0x56: {  	_ =	shalt  }
0x57: {  	_ =	shalt  }
0x58: {  	_ =	shalt  }
0x59: {  	_ =	shalt  }
0x5a: {  	_ =	shalt  }
0x5b: {  	_ =	shalt  }
0x5c: {  	_ =	shalt  }
0x5d: {  	_ =	shalt  }
0x5e: {  	_ =	shalt  }
0x5f: {  	_ =	shalt  }
0x60: {  	_ =	shalt  }
0x61: {  	_ =	shalt  }
0x62: {  	_ =	shalt  }
0x63: {  	_ =	shalt  }
0x64: {  	_ =	shalt  }
0x65: {  	_ =	shalt  }
0x66: {  	_ =	shalt  }
0x67: {  	_ =	shalt  }
0x68: {  	_ =	shalt  }
0x69: {  	_ =	shalt  }
0x6a: {  	_ =	shalt  }
0x6b: {  	_ =	shalt  }
0x6c: {  	_ =	shalt  }
0x6d: {  	_ =	shalt  }
0x6e: {  	_ =	shalt  }
0x6f: {  	_ =	shalt  }
0x70: {  	_ =	shalt  }
0x71: {  	_ =	shalt  }
0x72: {  	_ =	shalt  }
0x73: {  	_ =	shalt  }
0x74: {  	_ =	shalt  }
0x75: {  	_ =	shalt  }
0x76: {  	_ =	shalt  }
0x77: {  	_ =	shalt  }
0x78: {  	_ =	shalt  }
0x79: {  	_ =	shalt  }
0x7a: {  	_ =	shalt  }
0x7b: {  	_ =	shalt  }
0x7c: {  	_ =	shalt  }
0x7d: {  	_ =	shalt  }
0x7e: {  	_ =	shalt  }
0x7f: {  	_ =	shalt  }
0x80: {  	_ =	shalt  }
0x81: {  	_ =	shalt  }
0x82: {  	_ =	shalt  }
0x83: {  	_ =	shalt  }
0x84: {  	_ =	shalt  }
0x85: {  	_ =	shalt  }
0x86: {  	_ =	shalt  }
0x87: {  	_ =	shalt  }
.Lfunc_end0:
.L_simem_size_0:
called_computation_lowered:
.L_overlay_start_0:
0x88: {  	s2 =	sld [smem:$0x3FD9]  }
0x89: {  	s3 =	sld [smem:$0x3FFE];
	_ =	sdelay $0x1  }
0x8a: {  	s1 =	srdreg.scid  }
0x8b: {  	s0 =	sand.u32 $0x1, s1  }
0x8c: {  	s18 =	sshll.u32 s0, $0xA;
	s2 =	sadd.s32 s3, s2  }
0x8d: {  	s2 =	sadd.s32 s2, s18  }
0x8e: {  	[smem:$0x3FC7] =	sst s2  }
0x8f: {  	_ = 	snop  }
0x90: {  	s2 =	sld [smem:$0x3FC9]  }
0x91: {  	s19 =	sld [smem:$0x3FD0];
	(tm) =	ssettm $0x1  }
0x92: {  	s4 =	sld [smem:$0x3FFB];
	_ =	sdelay $0x3  }
0x93: {  	_ =	strace s4  }
0x94: {  	s4 =	sld [smem:$0x3FFC];
	_ =	sdelay $0x3  }
0x95: {  	_ =	strace s4  }
0x96: {  	s4 =	sld [smem:$0x3FFD];
	_ =	sdelay $0x3  }
0x97: {  	_ =	strace s4  }
0x98: {  	_ =	strace $0x8FFFFFFF  }
0x99: {  	s20 =	sld [smem:$0x3FDB];
	_ =	sdelay $0x1  }
0x9a: {  	s5 =	simm.s32 $_scs_section_size  }
0x9b: {  	s6 =	simm.s32 $_size__tile_overlayer_lowered;
	s7 =	simm.s32 $_tile_overlayer_lowered  }
0x9c: {  	s23 =	simm.s32 $0x1BFF;
	s22 =	sshll.u32 s7, $0x1;
	s4 =	sadd.s32 s5, s20  }
0x9d: {  	s8 =	simm.s32 $0x0;
	s21 =	sshll.u32 s6, $0x1;
	s6 =	sadd.s32 s22, s4  }
0x9e: {  	[timem:s8], [sflag:s23] =	dma.local [hbm:s6], s21  }
0x9f: {  	_ =	swait.ge [sflag:s23], s21  }
0xa0: {  	s5 =	ssub.s32 $0x0, s21;
	[sflag:s23] =	ssyncset.done $0x0  }
0xa1: {  	[sflag:s23] =	ssyncadd.s32 s5;
	_ =	sdelay $0x1  }
0xa2: {  	s24 =	simm.s32 $0x1B8B  }
0xa3: {  	_ =	swait.ge [sflag:s24], $0x1  }
0xa4: {  	[sflag:s24] =	ssyncset.done $0x0  }
0xa5: {  	s25 =	simm.s32 $0x1B8E;
	[sflag:s24] =	ssyncadd.s32 $0xFFFFFFFF  }
0xa6: {  	s26 =	simm.s32 $execute0_lowered;
	[smem:$0x3FD2] =	sst s25  }
0xa7: {  	s5 =	sshll.u32 s26, $0x1;
	_ =	strace $0x80000046;
	[dreg:$0x1] =	wrdreg $0xFFFFFFFF  }
0xa8: {  	s28 =	simm.s32 $_size_execute0_lowered;
	s4 =	sadd.s32 s4, s5;
	[dreg:$0x0] =	wrdreg $0x0  }
0xa9: {  	s5 =	sshll.u32 s28, $0x1;
	[dreg:$0x2] =	wrdreg s4  }
0xaa: {  	[dreg:$0x3] =	wrdreg s5  }
0xab: {  	[dreg:$0x4] =	wrdreg $0xC0  }
0xac: {  	_ =	task [dreg:s8], $0x5FFFF  }
0xad: {  	[dreg:$0x1] =	wrdreg $0xFFFFFFFF  }
0xae: {  	[dreg:$0x0] =	wrdreg $0x60  }
0xaf: {  	[dreg:$0x2] =	wrdreg s2  }
0xb0: {  	[dreg:$0x3] =	wrdreg s19  }
0xb1: {  	[dreg:$0x4] =	wrdreg $0x9  }
0xb2: {  	_ =	task.clear_ibuf [dreg:s8], $0x5FFFF;
	_ =	strace $0x90000046  }
0xb3: {  	s29 =	simm.s32 $0x9;
	_ =	strace $0x80000048  }
0xb4: {  	_ =	swait.ge [sflag:s29], $0x1  }
0xb5: {  	[sflag:s29] =	ssyncadd.s32 $0xFFFFFFFF  }
0xb6: {  	_ =	strace $0x90000048  }
0xb7: {  	_ =	sfence  }
0xb8: {  	s30 =	sld [smem:$0x0];
	_ =	sdelay $0x2  }
0xb9: {  	s31 =	sshll.u32 s1, $0xD;
	s1 =	sshrl.u32 s1, $0x2  }
0xba: {  	s3 =	sand.u32 $0x4000, s31;
	s1 =	sadd.s32 s1, s30  }
0xbb: {  	s0 =	sor.u32 s3, s0;
	s1 =	sshll.u32 s1, $0x11  }
0xbc: {  	s0 =	sor.u32 s1, s0  }
0xbd: {  	s0 =	sadd.s32 $0x8F2B, s0  }
0xbe: {  	[sflag:s0] =	ssyncadd.remote.s32 $0x1  }
0xbf: {  	_ =	sfence.sel $0xFFFF  }
0xc0: {  	[dreg:$0x0] =	wrdreg $0xFFFFFFFF;
	(pc) =	sbr.abs _section_cstart, $3  }
0xc1: {  	[dreg:$0x1] =	wrdreg $0xFFFFFFFF  }
0xc2: {  	_ =	task.clear_ibuf [dreg:s8], $0x2FFFF;
	_ =	strace $0x9FFFFFFF  }
0xc3: {  	(tm) =	ssettm $0x7FFFFFFF  }
tec
execute0_lowered:
.L_overlay_start_1:
0x0: {  	(tag) =	ssettag $0x1  }
0x1: {  	s2 =	rddreg [dreg:$0x0]  }
0x2: {  	s3 =	rddreg [dreg:$0x1];
	s4 =	srdreg.scid  }
0x3: {  	s1 =	stileid.u32;
	s0 =	rddreg [dreg:$0x2]  }
0x4: {  	s12 =	simm.s32 $0x6000;
	s13 =	simm.s32 $0x1;
	s14 =	simm.s32 $0xC000  }
0x5: {  	s15 =	simm.s32 $0x2;
	s16 =	simm.s32 $0x12000;
	s17 =	simm.s32 $0x3  }
0x6: {  	s18 =	simm.s32 $0x4;
	s19 =	simm.s32 $0x0;
	s5 =	sand.u32 $0x1, s4  }
0x7: {  	s28 =	sshll.u32 s1, $0x1;
	s6 =	sshrl.u32 s1, $0x2;
	s7 =	sshll.u32 s1, $0x1E  }
0x8: {  	s4 =	sand.u32 $0x2, s28;
	s7 =	sshra.s32 s7, $0x1F;
	s6 =	smul.u32 $0xA80000, s6  }
0x9: {  	s10 =	ssub.s32 $0x2, s5;
	s8 =	sor.u32 s5, s4;
	s4 =	simm.s32 $0x0  }
0xa: {  	s7 =	sand.u32 $0x540000, s7;
	s29 =	sshrl.u32 s10, $0x1;
	s9 =	smul.u32 $0x150000, s8  }
.Ltmp0:
0xb: {  	[smem:$0x7FF] =	sst s4;
	s5 =	sadd.s32 s6, s7;
	(pc) =	sbr.rel .LBB2_1-.Ltmp0, $4  }
0xc: {  	s6 =	smul.u32 $0x38, s8;
	s11 =	ssub.s32 s10, s29;
	s9 =	sadd.s32 s9, s5  }
0xd: {  	_ =	strace $0x80000047;
	s30 =	sshrl.u32 s9, $0x3;
	s9 =	sor.u32 $0x6000, s9  }
0xe: {  	s11 =	smax.u32 s11, $0x1;
	s10 =	sor.u32 $0x3, s6;
	s31 =	sshrl.u32 s9, $0x3  }
0xf: {  	s7 =	sadd.s32 s2, s30;
	s9 =	sor.u32 $0x2, s6;
	s8 =	sadd.s32 s2, s31  }
.LBB2_10:
0x10: {  	s19 =	sadd.s32 $0x1, s19  }
0x11: {  	_ =	swait.ge [sflag:s17], $0x6000;
	p0 =	sne.s32 s19, s11  }
.Ltmp1:
0x12: {  	[sflag:s17] =	ssyncset.done $0x0;
	(pc) =	sbr.rel @!p0 .LBB2_11-.Ltmp1, $4  }
0x13: {  	[sflag:s17] =	ssyncadd.s32 $0xFFFFA000  }
0x14: {  	_ =	swait.ge [sflag:s18], $0x6000  }
0x15: {  	[sflag:s18] =	ssyncset.done $0x0  }
0x16: {  	[sflag:s18] =	ssyncadd.s32 $0xFFFFA000  }
.LBB2_1:
0x17: {  	[tilespmem:s4], [sflag:$0x1] =	stream.linear.gather [hbm4b:s7+s4], $0x6000, $0x38;
	[tilespmem:$0x18000] =	vst v63  }
0x18: {  	s20 =	simm.s32 $0x0  }
0x19: {  	[tilespmem:s12], [sflag:$0x2] =	stream.linear.gather [hbm4b:s8+s4], $0x6000, $0x38;
	[tilespmem:$0x18000] =	vst v63  }
.LBB2_2:
0x1a: {  	p0 =	seq.s32 s20, $0x0  }
0x1b: {  	s21 =	simm.s32 @!p0 $0x3  }
0x1c: {  	_ =	swait.ge @!p0 [sflag:s21], $0x6000  }
0x1d: {  	[sflag:s21] =	ssyncset.done @!p0 $0x0  }
0x1e: {  	[sflag:s21] =	ssyncadd.s32 @!p0 $0xFFFFA000  }
0x1f: {  	s31 =	simm.s32 $0x0;
	_ =	swait.ge [sflag:s13], $0x6000  }
0x20: {  	s22 =	sand.u32 $0x7800, s31;
	s21 =	sand.u32 $0x300, s31;
	[sflag:s13] =	ssyncset.done $0x0  }
0x21: {  	s22 =	sor.u32 s21, s22;
	[sflag:s13] =	ssyncadd.s32 $0xFFFFA000  }
0x22: {  	v0 =	vld [tilespmem:s22+$0x4D0]  }
0x23: {  	v1 =	vld [tilespmem:s22+$0x0]  }
0x24: {  	v2 =	vld [tilespmem:s22+$0x10]  }
0x25: {  	v3 =	vld [tilespmem:s22+$0x20]  }
0x26: {  	v4 =	vld [tilespmem:s22+$0x30]  }
0x27: {  	v5 =	vld [tilespmem:s22+$0x40];
	v0 =	vmax.f32 v0, $0.0e+00  }
0x28: {  	v6 =	vld [tilespmem:s22+$0x50];
	v1 =	vmax.f32 v1, $0.0e+00;
	[tilespmem:s22+$0xC4D0] =	vst v0  }
0x29: {  	[tilespmem:s22+$0xC000] =	vst v1;
	v0 =	vmax.f32 v2, $0.0e+00;
	v1 =	vld [tilespmem:s22+$0x60]  }
0x2a: {  	v2 =	vld [tilespmem:s22+$0x70];
	[tilespmem:s22+$0xC010] =	vst v0;
	v0 =	vmax.f32 v3, $0.0e+00  }
0x2b: {  	v3 =	vld [tilespmem:s22+$0x400];
	[tilespmem:s22+$0xC020] =	vst v0;
	v0 =	vmax.f32 v4, $0.0e+00  }
0x2c: {  	v4 =	vld [tilespmem:s22+$0x410];
	[tilespmem:s22+$0xC030] =	vst v0;
	v0 =	vmax.f32 v5, $0.0e+00  }
0x2d: {  	v5 =	vld [tilespmem:s22+$0x420];
	[tilespmem:s22+$0xC040] =	vst v0;
	v0 =	vmax.f32 v6, $0.0e+00  }
0x2e: {  	[tilespmem:s22+$0xC050] =	vst v0;
	v0 =	vmax.f32 v1, $0.0e+00;
	v1 =	vld [tilespmem:s22+$0x430]  }
0x2f: {  	[tilespmem:s22+$0xC060] =	vst v0;
	v0 =	vmax.f32 v2, $0.0e+00;
	v2 =	vld [tilespmem:s22+$0x440]  }
0x30: {  	[tilespmem:s22+$0xC070] =	vst v0;
	v0 =	vmax.f32 v3, $0.0e+00;
	v3 =	vld [tilespmem:s22+$0x450]  }
0x31: {  	[tilespmem:s22+$0xC400] =	vst v0;
	v0 =	vmax.f32 v4, $0.0e+00;
	v4 =	vld [tilespmem:s22+$0x80]  }
0x32: {  	[tilespmem:s22+$0xC410] =	vst v0;
	v0 =	vmax.f32 v5, $0.0e+00;
	v5 =	vld [tilespmem:s22+$0x90]  }
0x33: {  	[tilespmem:s22+$0xC420] =	vst v0;
	v0 =	vmax.f32 v1, $0.0e+00;
	v1 =	vld [tilespmem:s22+$0xA0]  }
0x34: {  	v6 =	vld [tilespmem:s22+$0xB0];
	[tilespmem:s22+$0xC430] =	vst v0;
	v0 =	vmax.f32 v2, $0.0e+00  }
0x35: {  	[tilespmem:s22+$0xC440] =	vst v0;
	v0 =	vmax.f32 v3, $0.0e+00;
	v3 =	vld [tilespmem:s22+$0xC0]  }
0x36: {  	v7 =	vld [tilespmem:s22+$0xD0];
	[tilespmem:s22+$0xC450] =	vst v0;
	v0 =	vmax.f32 v4, $0.0e+00  }
0x37: {  	v4 =	vld [tilespmem:s22+$0xE0];
	[tilespmem:s22+$0xC080] =	vst v0;
	v0 =	vmax.f32 v5, $0.0e+00  }
0x38: {  	v2 =	vld [tilespmem:s22+$0xF0];
	[tilespmem:s22+$0xC090] =	vst v0;
	v0 =	vmax.f32 v1, $0.0e+00  }
0x39: {  	v1 =	vmax.f32 v6, $0.0e+00;
	[tilespmem:s22+$0xC0A0] =	vst v0;
	v0 =	vld [tilespmem:s22+$0x480]  }
0x3a: {  	s23 =	simm.s32 $0x0;
	[tilespmem:s22+$0xC0B0] =	vst v1;
	v1 =	vld [tilespmem:s22+$0x490];
	v3 =	vmax.f32 v3, $0.0e+00  }
0x3b: {  	s24 =	simm.s32 $0x100;
	s25 =	simm.s32 $0x200;
	s21 =	sshll.u32 s20, $0x1;
	v5 =	vmax.f32 v7, $0.0e+00;
	[tilespmem:s22+$0xC0C0] =	vst v3;
	v3 =	vld [tilespmem:s22+$0x4A0]  }
.LBB2_3:
0x3c: {  	s26 =	sand.u32 $0x7800, s25;
	s28 =	sand.u32 $0x300, s24;
	s23 =	sadd.s32 $0x2, s23;
	[tilespmem:s22+$0xC0D0] =	vst v5;
	v4 =	vmax.f32 v4, $0.0e+00;
	v5 =	vld [tilespmem:s22+$0x4B0]  }
0x3d: {  	s26 =	sor.u32 s28, s26;
	p0 =	slt.u32 s23, $0x5E;
	[tilespmem:s22+$0xC0E0] =	vst v4;
	v2 =	vmax.f32 v2, $0.0e+00;
	v4 =	vld [tilespmem:s22+$0x4C0]  }
0x3e: {  	v6 =	vld [tilespmem:s26+$0x4D0];
	[tilespmem:s22+$0xC0F0] =	vst v2;
	v0 =	vmax.f32 v0, $0.0e+00  }
0x3f: {  	v2 =	vld [tilespmem:s26+$0x0];
	[tilespmem:s22+$0xC480] =	vst v0;
	v0 =	vmax.f32 v1, $0.0e+00  }
0x40: {  	v1 =	vld [tilespmem:s26+$0x10];
	[tilespmem:s22+$0xC490] =	vst v0;
	v0 =	vmax.f32 v3, $0.0e+00  }
0x41: {  	v3 =	vld [tilespmem:s26+$0x20];
	[tilespmem:s22+$0xC4A0] =	vst v0;
	v0 =	vmax.f32 v5, $0.0e+00  }
0x42: {  	v5 =	vld [tilespmem:s26+$0x30];
	[tilespmem:s22+$0xC4B0] =	vst v0;
	v0 =	vmax.f32 v4, $0.0e+00  }
0x43: {  	v4 =	vld [tilespmem:s26+$0x40];
	v6 =	vmax.f32 v6, $0.0e+00;
	[tilespmem:s22+$0xC4C0] =	vst v0;
	s22 =	smov.u32 s26  }
0x44: {  	v0 =	vmax.f32 v2, $0.0e+00;
	v2 =	vld [tilespmem:s22+$0x50];
	[tilespmem:s22+$0xC4D0] =	vst v6  }
0x45: {  	[tilespmem:s22+$0xC000] =	vst v0;
	v0 =	vmax.f32 v1, $0.0e+00;
	v1 =	vld [tilespmem:s22+$0x60]  }
0x46: {  	[tilespmem:s22+$0xC010] =	vst v0;
	v0 =	vmax.f32 v3, $0.0e+00;
	v3 =	vld [tilespmem:s22+$0x70]  }
0x47: {  	[tilespmem:s22+$0xC020] =	vst v0;
	v0 =	vmax.f32 v5, $0.0e+00;
	v5 =	vld [tilespmem:s22+$0x400]  }
0x48: {  	[tilespmem:s22+$0xC030] =	vst v0;
	v0 =	vmax.f32 v4, $0.0e+00;
	v4 =	vld [tilespmem:s22+$0x410]  }
0x49: {  	[tilespmem:s22+$0xC040] =	vst v0;
	v0 =	vmax.f32 v2, $0.0e+00;
	v2 =	vld [tilespmem:s22+$0x420]  }
0x4a: {  	[tilespmem:s22+$0xC050] =	vst v0;
	v0 =	vmax.f32 v1, $0.0e+00;
	v1 =	vld [tilespmem:s22+$0x430]  }
0x4b: {  	[tilespmem:s22+$0xC060] =	vst v0;
	v0 =	vmax.f32 v3, $0.0e+00;
	v3 =	vld [tilespmem:s22+$0x440]  }
0x4c: {  	[tilespmem:s22+$0xC070] =	vst v0;
	v0 =	vmax.f32 v5, $0.0e+00;
	v5 =	vld [tilespmem:s22+$0x450]  }
0x4d: {  	[tilespmem:s22+$0xC400] =	vst v0;
	v0 =	vmax.f32 v4, $0.0e+00;
	v4 =	vld [tilespmem:s22+$0x80]  }
0x4e: {  	[tilespmem:s22+$0xC410] =	vst v0;
	v0 =	vmax.f32 v2, $0.0e+00;
	v2 =	vld [tilespmem:s22+$0x90]  }
0x4f: {  	[tilespmem:s22+$0xC420] =	vst v0;
	v0 =	vmax.f32 v1, $0.0e+00;
	v1 =	vld [tilespmem:s22+$0xA0]  }
0x50: {  	[tilespmem:s22+$0xC430] =	vst v0;
	v0 =	vmax.f32 v3, $0.0e+00;
	v3 =	vld [tilespmem:s22+$0xB0]  }
0x51: {  	[tilespmem:s22+$0xC440] =	vst v0;
	v0 =	vmax.f32 v5, $0.0e+00;
	v5 =	vld [tilespmem:s22+$0xC0]  }
0x52: {  	[tilespmem:s22+$0xC450] =	vst v0;
	v0 =	vmax.f32 v4, $0.0e+00;
	v6 =	vld [tilespmem:s22+$0xD0]  }
.Ltmp2:
0x53: {  	[tilespmem:s22+$0xC080] =	vst v0;
	v0 =	vmax.f32 v2, $0.0e+00;
	v4 =	vld [tilespmem:s22+$0xE0];
	(pc) =	sbr.rel @p0 .LBB2_3-.Ltmp2, $4  }
0x54: {  	[tilespmem:s22+$0xC090] =	vst v0;
	v0 =	vmax.f32 v1, $0.0e+00;
	v2 =	vld [tilespmem:s22+$0xF0]  }
0x55: {  	[tilespmem:s22+$0xC0A0] =	vst v0;
	v1 =	vmax.f32 v3, $0.0e+00;
	v0 =	vld [tilespmem:s22+$0x480]  }
0x56: {  	[tilespmem:s22+$0xC0B0] =	vst v1;
	v3 =	vmax.f32 v5, $0.0e+00;
	v1 =	vld [tilespmem:s22+$0x490]  }
0x57: {  	s24 =	sadd.s32 $0x100, s24;
	s25 =	sadd.s32 $0x200, s25;
	[tilespmem:s22+$0xC0C0] =	vst v3;
	v5 =	vmax.f32 v6, $0.0e+00;
	v3 =	vld [tilespmem:s22+$0x4A0]  }
0x58: {  	[tilespmem:s22+$0xC0D0] =	vst v5;
	v4 =	vmax.f32 v4, $0.0e+00;
	v58 =	vld [tilespmem:s22+$0x4B0]  }
0x59: {  	v59 =	vld [tilespmem:s22+$0x4C0];
	[tilespmem:s22+$0xC0E0] =	vst v4;
	v2 =	vmax.f32 v2, $0.0e+00  }
0x5a: {  	s23 =	sadd.s32 s6, s21;
	[tilespmem:s22+$0xC0F0] =	vst v2;
	v0 =	vmax.f32 v0, $0.0e+00  }
0x5b: {  	s23 =	smul.u32 $0x6000, s23;
	[tilespmem:s22+$0xC480] =	vst v0;
	v60 =	vmax.f32 v1, $0.0e+00  }
0x5c: {  	[tilespmem:s22+$0xC490] =	vst v60;
	v61 =	vmax.f32 v3, $0.0e+00  }
0x5d: {  	p0 =	seq.s32 s20, $0x1B;
	s23 =	sadd.s32 s5, s23;
	[tilespmem:s22+$0xC4A0] =	vst v61;
	v62 =	vmax.f32 v58, $0.0e+00  }
0x5e: {  	s24 =	sadd.s32 @!p0 s21, s9;
	p1 =	seq.s32 @!p0 s20, $0x0;
	s23 =	sshrl.u32 s23, $0x3;
	v63 =	vmax.f32 v59, $0.0e+00;
	[tilespmem:s22+$0xC4B0] =	vst v62  }
0x5f: {  	p1 =	por p0, !p1;
	s31 =	sadd.s32 s3, s23;
	s23 =	smul.u32 @!p0 $0x6000, s24;
	[tilespmem:s22+$0xC4C0] =	vst v63  }
0x60: {  	[hbm4b:s31+s4] =	stream.linear.scatter [tilespmem:s14], [sflag:$0x3], $0x6000, $0x38;
	[tilespmem:$0x18000] =	vst v63  }
.Ltmp3:
0x61: {  	s22 =	sadd.s32 @!p0 s5, s23;
	(pc) =	sbr.rel @!p1 .LBB2_6-.Ltmp3, $4  }
0x62: {  	s22 =	sshrl.u32 @!p0 s22, $0x3  }
0x63: {  	s23 =	simm.s32 @!p0 $0x0;
	s22 =	sadd.s32 @!p0 s2, s22  }
0x64: {  	[tilespmem:s23], [sflag:$0x1] =	stream.linear.gather @!p0 [hbm4b:s22+s23], $0x6000, $0x38;
	[tilespmem:$0x18000] =	vst v63  }
0x65: {  	s22 =	sor.u32 @!p0 $0x1, s21  }
0x66: {  	_ =	swait.ge [sflag:s18], $0x6000  }
0x67: {  	[sflag:s18] =	ssyncset.done $0x0  }
0x68: {  	s22 =	simm.s32 @p0 $0x37;
	[sflag:s18] =	ssyncadd.s32 $0xFFFFA000  }
.LBB2_6:
0x69: {  	_ =	swait.ge [sflag:s15], $0x6000;
	s23 =	simm.s32 $0x0  }
0x6a: {  	[sflag:s15] =	ssyncset.done $0x0;
	s24 =	sand.u32 $0x7800, s23;
	s23 =	sand.u32 $0x300, s23  }
0x6b: {  	[sflag:s15] =	ssyncadd.s32 $0xFFFFA000;
	s23 =	sor.u32 s23, s24  }
0x6c: {  	v0 =	vld [tilespmem:s23+$0x64D0]  }
0x6d: {  	v1 =	vld [tilespmem:s23+$0x6000]  }
0x6e: {  	v2 =	vld [tilespmem:s23+$0x6010]  }
0x6f: {  	v3 =	vld [tilespmem:s23+$0x6020]  }
0x70: {  	v4 =	vld [tilespmem:s23+$0x6030]  }
0x71: {  	v5 =	vld [tilespmem:s23+$0x6040];
	v0 =	vmax.f32 v0, $0.0e+00  }
0x72: {  	v6 =	vld [tilespmem:s23+$0x6050];
	v1 =	vmax.f32 v1, $0.0e+00;
	[tilespmem:s23+$0x124D0] =	vst v0  }
0x73: {  	[tilespmem:s23+$0x12000] =	vst v1;
	v0 =	vmax.f32 v2, $0.0e+00;
	v1 =	vld [tilespmem:s23+$0x6060]  }
0x74: {  	v2 =	vld [tilespmem:s23+$0x6070];
	[tilespmem:s23+$0x12010] =	vst v0;
	v0 =	vmax.f32 v3, $0.0e+00  }
0x75: {  	v3 =	vld [tilespmem:s23+$0x6400];
	[tilespmem:s23+$0x12020] =	vst v0;
	v0 =	vmax.f32 v4, $0.0e+00  }
0x76: {  	v4 =	vld [tilespmem:s23+$0x6410];
	[tilespmem:s23+$0x12030] =	vst v0;
	v0 =	vmax.f32 v5, $0.0e+00  }
0x77: {  	v5 =	vld [tilespmem:s23+$0x6420];
	[tilespmem:s23+$0x12040] =	vst v0;
	v0 =	vmax.f32 v6, $0.0e+00  }
0x78: {  	[tilespmem:s23+$0x12050] =	vst v0;
	v0 =	vmax.f32 v1, $0.0e+00;
	v1 =	vld [tilespmem:s23+$0x6430]  }
0x79: {  	[tilespmem:s23+$0x12060] =	vst v0;
	v0 =	vmax.f32 v2, $0.0e+00;
	v2 =	vld [tilespmem:s23+$0x6440]  }
0x7a: {  	[tilespmem:s23+$0x12070] =	vst v0;
	v0 =	vmax.f32 v3, $0.0e+00;
	v3 =	vld [tilespmem:s23+$0x6450]  }
0x7b: {  	[tilespmem:s23+$0x12400] =	vst v0;
	v0 =	vmax.f32 v4, $0.0e+00;
	v4 =	vld [tilespmem:s23+$0x6080]  }
0x7c: {  	[tilespmem:s23+$0x12410] =	vst v0;
	v0 =	vmax.f32 v5, $0.0e+00;
	v5 =	vld [tilespmem:s23+$0x6090]  }
0x7d: {  	[tilespmem:s23+$0x12420] =	vst v0;
	v0 =	vmax.f32 v1, $0.0e+00;
	v1 =	vld [tilespmem:s23+$0x60A0]  }
0x7e: {  	v6 =	vld [tilespmem:s23+$0x60B0];
	[tilespmem:s23+$0x12430] =	vst v0;
	v0 =	vmax.f32 v2, $0.0e+00  }
0x7f: {  	[tilespmem:s23+$0x12440] =	vst v0;
	v0 =	vmax.f32 v3, $0.0e+00;
	v3 =	vld [tilespmem:s23+$0x60C0]  }
0x80: {  	v7 =	vld [tilespmem:s23+$0x60D0];
	[tilespmem:s23+$0x12450] =	vst v0;
	v0 =	vmax.f32 v4, $0.0e+00  }
0x81: {  	v4 =	vld [tilespmem:s23+$0x60E0];
	[tilespmem:s23+$0x12080] =	vst v0;
	v0 =	vmax.f32 v5, $0.0e+00  }
0x82: {  	v2 =	vld [tilespmem:s23+$0x60F0];
	[tilespmem:s23+$0x12090] =	vst v0;
	v0 =	vmax.f32 v1, $0.0e+00  }
0x83: {  	v1 =	vmax.f32 v6, $0.0e+00;
	[tilespmem:s23+$0x120A0] =	vst v0;
	v0 =	vld [tilespmem:s23+$0x6480]  }
0x84: {  	[tilespmem:s23+$0x120B0] =	vst v1;
	v1 =	vld [tilespmem:s23+$0x6490];
	v3 =	vmax.f32 v3, $0.0e+00  }
0x85: {  	s25 =	simm.s32 $0x100;
	s26 =	simm.s32 $0x200;
	s24 =	simm.s32 $0x0;
	v5 =	vmax.f32 v7, $0.0e+00;
	[tilespmem:s23+$0x120C0] =	vst v3;
	v3 =	vld [tilespmem:s23+$0x64A0]  }
.LBB2_7:
0x86: {  	s28 =	sand.u32 $0x7800, s26;
	s29 =	sand.u32 $0x300, s25;
	s24 =	sadd.s32 $0x2, s24;
	[tilespmem:s23+$0x120D0] =	vst v5;
	v4 =	vmax.f32 v4, $0.0e+00;
	v5 =	vld [tilespmem:s23+$0x64B0]  }
0x87: {  	s28 =	sor.u32 s29, s28;
	p1 =	slt.u32 s24, $0x5E;
	[tilespmem:s23+$0x120E0] =	vst v4;
	v2 =	vmax.f32 v2, $0.0e+00;
	v4 =	vld [tilespmem:s23+$0x64C0]  }
0x88: {  	v6 =	vld [tilespmem:s28+$0x64D0];
	[tilespmem:s23+$0x120F0] =	vst v2;
	v0 =	vmax.f32 v0, $0.0e+00  }
0x89: {  	v2 =	vld [tilespmem:s28+$0x6000];
	[tilespmem:s23+$0x12480] =	vst v0;
	v0 =	vmax.f32 v1, $0.0e+00  }
0x8a: {  	v1 =	vld [tilespmem:s28+$0x6010];
	[tilespmem:s23+$0x12490] =	vst v0;
	v0 =	vmax.f32 v3, $0.0e+00  }
0x8b: {  	v3 =	vld [tilespmem:s28+$0x6020];
	[tilespmem:s23+$0x124A0] =	vst v0;
	v0 =	vmax.f32 v5, $0.0e+00  }
0x8c: {  	v5 =	vld [tilespmem:s28+$0x6030];
	[tilespmem:s23+$0x124B0] =	vst v0;
	v0 =	vmax.f32 v4, $0.0e+00  }
0x8d: {  	v4 =	vld [tilespmem:s28+$0x6040];
	v6 =	vmax.f32 v6, $0.0e+00;
	[tilespmem:s23+$0x124C0] =	vst v0;
	s23 =	smov.u32 s28  }
0x8e: {  	v0 =	vmax.f32 v2, $0.0e+00;
	v2 =	vld [tilespmem:s23+$0x6050];
	[tilespmem:s23+$0x124D0] =	vst v6  }
0x8f: {  	[tilespmem:s23+$0x12000] =	vst v0;
	v0 =	vmax.f32 v1, $0.0e+00;
	v1 =	vld [tilespmem:s23+$0x6060]  }
0x90: {  	[tilespmem:s23+$0x12010] =	vst v0;
	v0 =	vmax.f32 v3, $0.0e+00;
	v3 =	vld [tilespmem:s23+$0x6070]  }
0x91: {  	[tilespmem:s23+$0x12020] =	vst v0;
	v0 =	vmax.f32 v5, $0.0e+00;
	v5 =	vld [tilespmem:s23+$0x6400]  }
0x92: {  	[tilespmem:s23+$0x12030] =	vst v0;
	v0 =	vmax.f32 v4, $0.0e+00;
	v4 =	vld [tilespmem:s23+$0x6410]  }
0x93: {  	[tilespmem:s23+$0x12040] =	vst v0;
	v0 =	vmax.f32 v2, $0.0e+00;
	v2 =	vld [tilespmem:s23+$0x6420]  }
0x94: {  	[tilespmem:s23+$0x12050] =	vst v0;
	v0 =	vmax.f32 v1, $0.0e+00;
	v1 =	vld [tilespmem:s23+$0x6430]  }
0x95: {  	[tilespmem:s23+$0x12060] =	vst v0;
	v0 =	vmax.f32 v3, $0.0e+00;
	v3 =	vld [tilespmem:s23+$0x6440]  }
0x96: {  	[tilespmem:s23+$0x12070] =	vst v0;
	v0 =	vmax.f32 v5, $0.0e+00;
	v5 =	vld [tilespmem:s23+$0x6450]  }
0x97: {  	[tilespmem:s23+$0x12400] =	vst v0;
	v0 =	vmax.f32 v4, $0.0e+00;
	v4 =	vld [tilespmem:s23+$0x6080]  }
0x98: {  	[tilespmem:s23+$0x12410] =	vst v0;
	v0 =	vmax.f32 v2, $0.0e+00;
	v2 =	vld [tilespmem:s23+$0x6090]  }
0x99: {  	[tilespmem:s23+$0x12420] =	vst v0;
	v0 =	vmax.f32 v1, $0.0e+00;
	v1 =	vld [tilespmem:s23+$0x60A0]  }
0x9a: {  	[tilespmem:s23+$0x12430] =	vst v0;
	v0 =	vmax.f32 v3, $0.0e+00;
	v3 =	vld [tilespmem:s23+$0x60B0]  }
0x9b: {  	[tilespmem:s23+$0x12440] =	vst v0;
	v0 =	vmax.f32 v5, $0.0e+00;
	v5 =	vld [tilespmem:s23+$0x60C0]  }
0x9c: {  	[tilespmem:s23+$0x12450] =	vst v0;
	v0 =	vmax.f32 v4, $0.0e+00;
	v6 =	vld [tilespmem:s23+$0x60D0]  }
.Ltmp4:
0x9d: {  	[tilespmem:s23+$0x12080] =	vst v0;
	v0 =	vmax.f32 v2, $0.0e+00;
	v4 =	vld [tilespmem:s23+$0x60E0];
	(pc) =	sbr.rel @p1 .LBB2_7-.Ltmp4, $4  }
0x9e: {  	[tilespmem:s23+$0x12090] =	vst v0;
	v0 =	vmax.f32 v1, $0.0e+00;
	v2 =	vld [tilespmem:s23+$0x60F0]  }
0x9f: {  	[tilespmem:s23+$0x120A0] =	vst v0;
	v1 =	vmax.f32 v3, $0.0e+00;
	v0 =	vld [tilespmem:s23+$0x6480]  }
0xa0: {  	[tilespmem:s23+$0x120B0] =	vst v1;
	v3 =	vmax.f32 v5, $0.0e+00;
	v1 =	vld [tilespmem:s23+$0x6490]  }
0xa1: {  	s25 =	sadd.s32 $0x100, s25;
	s26 =	sadd.s32 $0x200, s26;
	[tilespmem:s23+$0x120C0] =	vst v3;
	v5 =	vmax.f32 v6, $0.0e+00;
	v3 =	vld [tilespmem:s23+$0x64A0]  }
0xa2: {  	[tilespmem:s23+$0x120D0] =	vst v5;
	v4 =	vmax.f32 v4, $0.0e+00;
	v58 =	vld [tilespmem:s23+$0x64B0]  }
0xa3: {  	v59 =	vld [tilespmem:s23+$0x64C0];
	[tilespmem:s23+$0x120E0] =	vst v4;
	v2 =	vmax.f32 v2, $0.0e+00  }
0xa4: {  	s22 =	sadd.s32 s6, s22;
	[tilespmem:s23+$0x120F0] =	vst v2;
	v0 =	vmax.f32 v0, $0.0e+00  }
0xa5: {  	s22 =	smul.u32 $0x6000, s22;
	[tilespmem:s23+$0x12480] =	vst v0;
	v60 =	vmax.f32 v1, $0.0e+00  }
.Ltmp5:
0xa6: {  	[tilespmem:s23+$0x12490] =	vst v60;
	v61 =	vmax.f32 v3, $0.0e+00;
	(pc) =	sbr.rel @p0 .LBB2_10-.Ltmp5, $4  }
0xa7: {  	s22 =	sadd.s32 s5, s22;
	[tilespmem:s23+$0x124A0] =	vst v61;
	v62 =	vmax.f32 v58, $0.0e+00  }
0xa8: {  	s22 =	sshrl.u32 s22, $0x3;
	v63 =	vmax.f32 v59, $0.0e+00;
	[tilespmem:s23+$0x124B0] =	vst v62  }
0xa9: {  	s22 =	sadd.s32 s3, s22;
	[tilespmem:s23+$0x124C0] =	vst v63  }
0xaa: {  	[hbm4b:s22+s4] =	stream.linear.scatter [tilespmem:s16], [sflag:$0x4], $0x6000, $0x38;
	[tilespmem:$0x18000] =	vst v63  }
0xab: {  	s21 =	sadd.s32 s21, s10  }
0xac: {  	s21 =	smul.u32 $0x6000, s21  }
.Ltmp6:
0xad: {  	_ = 	snop;
	(pc) =	sbr.rel .LBB2_2-.Ltmp6, $4  }
0xae: {  	s21 =	sadd.s32 s5, s21  }
0xaf: {  	s21 =	sshrl.u32 s21, $0x3  }
0xb0: {  	s20 =	sadd.s32 $0x1, s20;
	s21 =	sadd.s32 s2, s21  }
0xb1: {  	[tilespmem:s12], [sflag:$0x2] =	stream.linear.gather [hbm4b:s21+s4], $0x6000, $0x38;
	[tilespmem:$0x18000] =	vst v63  }
.LBB2_11:
0xb2: {  	_ =	sfence.sel $0x180000  }
0xb3: {  	[bflag:$0x0] =	sbarrier.arrive $0xFFFF  }
0xb4: {  	p0 =	sne.s32 s1, $0x0;
	_ =	strace $0x90000047  }
0xb5: {  	s0 =	sadd.s32 @!p0 $0x100000, s0;
	[bflag:$0x2] =	sbarrier.arrive $0xFFFF  }
0xb6: {  	[sflag:s0] =	ssyncadd.tile.s32 @!p0 $0x1;
	_ =	shalt  }
.Lfunc_end2:
_tile_overlayer_lowered:
.L_overlay_start_2:
0xb7: {  	(tag) =	ssettag $0x2  }
0xb8: {  	s0 =	rddreg [dreg:$0x0];
	s2 =	stileid.u32  }
0xb9: {  	s1 =	rddreg [dreg:$0x1];
	p0 =	sne.s32 s2, $0x0  }
0xba: {  	s3 =	rddreg [dreg:$0x2];
	[bflag:$0x3] =	sbarrier.arrive $0xFFFF;
	s2 =	simm.s32 @!p0 $0x1C05  }
0xbb: {  	[timem:s3], [sflag:s2] =	dma.local @!p0 [hbm:s0], s1  }
0xbc: {  	s0 =	simm.s32 @!p0 $0x5  }
0xbd: {  	_ =	swait.ge @!p0 [sflag:s0], s1  }
0xbe: {  	s1 =	ssub.s32 @!p0 $0x0, s1;
	[sflag:s0] =	ssyncset.done @!p0 $0x0  }
0xbf: {  	[sflag:s0] =	ssyncadd.s32 @!p0 s1  }
0xc0: {  	[bflag:$0x3] =	sbarrier.arrive $0xFFFF  }
0xc1: {  	_ =	shalt  }

</sc_bundles>
